<compile_context>
chip_gen: v7x
topology: tpu7x:2x2x1
jax: 0.10.2.dev20260603
libtpu: 0.0.44.dev20260713+nightly
codegen_flags: <defaults>
</compile_context>

<pallas_src>
import functools

import jax
import jax.numpy as jnp
from jax import lax
from jax.experimental import pallas as pl
from jax.experimental.pallas import tpu as pltpu
from jax.experimental.pallas import tpu_sc as plsc

K = 32
D = 64
N = 65536
B = 8
L = 16
C1 = 128
QUARTER = N // 4
NC1 = QUARTER // C1
C2 = 512
NC2 = QUARTER // C2
G2 = C2 // L
PUSH_MARGIN = 0.25
PUSH_WEIGHT = 1.0
PULL_WEIGHT = 1.0
REG_WEIGHT = 0.0001

_mesh = plsc.VectorSubcoreMesh(core_axis_name="c", subcore_axis_name="s")


@functools.partial(
    pl.kernel,
    out_type=(
        jax.ShapeDtypeStruct((B, L), jnp.float32),
        jax.ShapeDtypeStruct((32, L), jnp.float32),
    ),
    mesh=_mesh,
    compiler_params=pltpu.CompilerParams(needs_layout_passes=False),
    scratch_types=[
        pltpu.VMEM((C1, D), jnp.float32),
        pltpu.VMEM((C1, D), jnp.float32),
        pltpu.VMEM((C1,), jnp.int32),
        pltpu.VMEM((C1,), jnp.int32),
        pltpu.VMEM((C1,), jnp.int32),
        pltpu.VMEM((C1,), jnp.int32),
        pltpu.VMEM((C1, L), jnp.float32),
        pltpu.VMEM((C2 * D,), jnp.float32),
        pltpu.VMEM((C2 * D,), jnp.float32),
        pltpu.VMEM((C2,), jnp.int32),
        pltpu.VMEM((C2,), jnp.int32),
        pltpu.VMEM((K, D), jnp.float32),
        pltpu.VMEM((K * D,), jnp.float32),
        pltpu.VMEM((K, L), jnp.float32),
        pltpu.VMEM((L,), jnp.float32),
        pltpu.VMEM_SHARED((4 * K, D), jnp.float32),
        pltpu.VMEM_SHARED((4 * K, L), jnp.float32),
        pltpu.SemaphoreType.DMA,
        pltpu.SemaphoreType.DMA,
        pltpu.SemaphoreType.DMA,
        pltpu.SemaphoreType.DMA,
        pltpu.SemaphoreType.DMA,
        pltpu.SemaphoreType.DMA,
    ],
)
def _sc_loss(emb_hbm, embf_hbm, lab_hbm, pushreg_out, pull_out,
             e1a, e1b, l1a, l1b, ixa, ixb, ones_buf,
             e2a, e2b, l2a, l2b, cent2d, centf, cnt_buf, vec_buf,
             sums_sh, cnts_sh, se_a, se_b, sl_a, sl_b, sx_a, sx_b):
    c = lax.axis_index("c")
    s = lax.axis_index("s")
    local_s = s // 4
    quarter = s % 4
    sample = 4 * c + local_s
    wid = c * 16 + s
    base = quarter * QUARTER

    zeros16 = jnp.zeros((L,), jnp.float32)
    ones16 = jnp.ones((L,), jnp.float32)
    iota16 = lax.iota(jnp.int32, L)

    def _ones_body(r, _):
        ones_buf[r, :] = ones16
        return 0
    lax.fori_loop(0, C1, _ones_body, 0)

    @pl.when(s == 0)
    def _zero_shared():
        def _ze(r, _):
            for jj in range(D // L):
                e1a[r, pl.ds(L * jj, L)] = zeros16
            return 0
        lax.fori_loop(0, C1, _ze, 0)

        def _zc(r, _):
            cnt_buf[r, :] = zeros16
            return 0
        lax.fori_loop(0, K, _zc, 0)
        pltpu.sync_copy(e1a, sums_sh)
        for t in range(4):
            pltpu.sync_copy(cnt_buf, cnts_sh.at[pl.ds(t * K, K)])

    plsc.subcore_barrier()

    row_off = K * local_s

    def load1(k, eb, lb, se, sl):
        off = base + k * C1
        pltpu.async_copy(emb_hbm.at[sample, pl.ds(off, C1), :], eb, se)
        pltpu.async_copy(lab_hbm.at[sample, pl.ds(off, C1)], lb, sl)

    def wait1(eb, lb, se, sl):
        pltpu.make_async_copy(emb_hbm.at[sample, pl.ds(0, C1), :], eb, se).wait()
        pltpu.make_async_copy(lab_hbm.at[sample, pl.ds(0, C1)], lb, sl).wait()

    load1(0, e1a, l1a, se_a, sl_a)
    load1(1, e1b, l1b, se_b, sl_b)

    def p1_step(k, eb, lb, ix, se, sl, sx):
        wait1(eb, lb, se, sl)
        for g in range(C1 // L):
            lv = lb[pl.ds(L * g, L)]
            ix[pl.ds(L * g, L)] = lv + row_off
        pltpu.sync_copy(eb, sums_sh.at[ix], add=True)
        pltpu.sync_copy(ones_buf, cnts_sh.at[ix], add=True)
        kn = jnp.minimum(k + 2, NC1 - 1)
        load1(kn, eb, lb, se, sl)

    def _p1_body(p, _):
        p1_step(2 * p, e1a, l1a, ixa, se_a, sl_a, sx_a)
        p1_step(2 * p + 1, e1b, l1b, ixb, se_b, sl_b, sx_b)
        return 0

    lax.fori_loop(0, NC1 // 2, _p1_body, 0)
    wait1(e1a, l1a, se_a, sl_a)
    wait1(e1b, l1b, se_b, sl_b)
    plsc.subcore_barrier()

    pltpu.sync_copy(sums_sh.at[pl.ds(row_off, K)], cent2d)
    pltpu.sync_copy(cnts_sh.at[pl.ds(row_off, K)], cnt_buf)

    def _cent_body(r, _):
        cnt = cnt_buf[r, :]
        denom = jnp.maximum(cnt, 1.0)
        valid = cnt > 0.0
        for jj in range(D // L):
            sv = cent2d[r, pl.ds(L * jj, L)]
            centf[pl.ds(r * D + L * jj, L)] = jnp.where(valid, sv / denom, 0.0)
        return 0
    lax.fori_loop(0, K, _cent_body, 0)

    def _hsum_bcast(v):
        for m in (8, 4, 2, 1):
            vec_buf[:] = v
            v = v + plsc.load_gather(vec_buf, [iota16 ^ m])
        return v

    @pl.when(quarter == 0)
    def _push_reg():
        def _nv_body(r, acc):
            return acc + jnp.where(cnt_buf[r, :] > 0.0, ones16, zeros16)
        nv_vec = lax.fori_loop(0, K, _nv_body, zeros16)

        def _push_i(i, acc_i):
            ci = [centf[pl.ds(i * D + L * jj, L)] for jj in range(D // L)]
            vi = cnt_buf[i, :] > 0.0
            ivec = jnp.full((L,), i, jnp.int32)

            def _push_j(j, acc_j):
                dv = zeros16
                for jj in range(D // L):
                    dv = dv + jnp.abs(ci[jj] - centf[pl.ds(j * D + L * jj, L)])
                dist = _hsum_bcast(dv)
                vj = cnt_buf[j, :] > 0.0
                m = (ivec < jnp.full((L,), j, jnp.int32)) & vi & vj
                h = jnp.maximum(PUSH_MARGIN - dist, 0.0)
                return acc_j + jnp.where(m, h * h, zeros16)

            return lax.fori_loop(0, K, _push_j, acc_i)

        push_sum = lax.fori_loop(0, K, _push_i, zeros16)
        n_comp = nv_vec * (nv_vec - 1.0) * 0.5
        push_loss = jnp.where(nv_vec >= 2.0,
                              push_sum / jnp.maximum(n_comp, 1.0), zeros16)

        def _reg_body(r, acc):
            sq = zeros16
            for jj in range(D // L):
                cv = centf[pl.ds(r * D + L * jj, L)]
                sq = sq + cv * cv
            return acc + jnp.where(cnt_buf[r, :] > 0.0, sq, zeros16)
        reg_vec = _hsum_bcast(lax.fori_loop(0, K, _reg_body, zeros16))
        reg_loss = reg_vec / jnp.maximum(nv_vec * float(D), 1.0)

        vec_buf[:] = PUSH_WEIGHT * push_loss + REG_WEIGHT * reg_loss
        pltpu.sync_copy(vec_buf, pushreg_out.at[sample])

    def load2(k, eb, lb, se, sl):
        off = base + k * C2
        pltpu.async_copy(embf_hbm.at[sample, pl.ds(off * D, C2 * D)], eb, se)
        pltpu.async_copy(lab_hbm.at[sample, pl.ds(off, C2)], lb, sl)

    def wait2(eb, lb, se, sl):
        pltpu.make_async_copy(embf_hbm.at[sample, pl.ds(0, C2 * D)], eb, se).wait()
        pltpu.make_async_copy(lab_hbm.at[sample, pl.ds(0, C2)], lb, sl).wait()

    load2(0, e2a, l2a, se_a, sl_a)
    load2(1, e2b, l2b, se_b, sl_b)

    def p2_step(k, eb, lb, se, sl, pacc):
        wait2(eb, lb, se, sl)

        def g_body(g, acc):
            lv = lb[pl.ds(g * L, L)]
            pixb = (iota16 + g * L) * D
            labb = lv * D

            def d_body(dd, carry):
                a, ide, idc = carry
                for _ in range(4):
                    e = plsc.load_gather(eb, [ide])
                    cv = plsc.load_gather(centf, [idc])
                    a = a + jnp.abs(e - cv)
                    ide = ide + 1
                    idc = idc + 1
                return a, ide, idc

            pd, _, _ = lax.fori_loop(0, D // 4, d_body, (zeros16, pixb, labb))
            return acc + pd * pd

        pacc = lax.fori_loop(0, G2, g_body, pacc)
        kn = jnp.minimum(k + 2, NC2 - 1)
        load2(kn, eb, lb, se, sl)
        return pacc

    def _p2_body(p, pacc):
        pacc = p2_step(2 * p, e2a, l2a, se_a, sl_a, pacc)
        pacc = p2_step(2 * p + 1, e2b, l2b, se_b, sl_b, pacc)
        return pacc

    pacc = lax.fori_loop(0, NC2 // 2, _p2_body, zeros16)
    wait2(e2a, l2a, se_a, sl_a)
    wait2(e2b, l2b, se_b, sl_b)
    vec_buf[:] = pacc
    pltpu.sync_copy(vec_buf, pull_out.at[wid])


def kernel(embeddings, labels):
    lab32 = labels.astype(jnp.int32)
    embf = embeddings.reshape(B, N * D)
    pushreg, pull = _sc_loss(embeddings, embf, lab32)
    pull_s = pull.reshape(2, 4, 4 * L).sum(axis=-1).reshape(B)
    pull_loss = pull_s / float(N)
    return jnp.mean(pushreg[:, 0] + PULL_WEIGHT * pull_loss)

# --- scband reference (transcript-rebuilt; emitter-appended) ---
"""Pipeline reference for scband-metric-loss-56882546868460 (READ-ONLY COPY).

The authoritative reference and input builder live on the scoring server;
editing this copy changes nothing except your own understanding.
"""

import jax, jax.numpy as jnp
import numpy as np

K = 32  # number of instance labels (max label + 1)
PUSH_MARGIN = 0.25
PULL_MARGIN = 0.0
PUSH_WEIGHT = 1.0
PULL_WEIGHT = 1.0
REG_WEIGHT = 0.0001


def setup_inputs(seed: int = 0) -> dict:
    key = jax.random.key(seed)
    k1, k2 = jax.random.split(key)
    embeddings = jax.random.normal(k1, (8, 65536, 64), dtype=jnp.float32)
    labels = jax.random.randint(k2, (8, 65536), 0, K).astype(jnp.int64)
    return {"embeddings": embeddings, "labels": labels}


def _per_sample(emb, lab):
    # emb: [N, d] float32, lab: [N] int
    lab = lab.astype(jnp.int32)
    n, d = emb.shape
    ones = jnp.ones((n,), jnp.float32)
    counts = jax.ops.segment_sum(ones, lab, num_segments=K)            # [K]
    sums = jax.ops.segment_sum(emb, lab, num_segments=K)               # [K, d]
    valid = counts > 0
    centroids = jnp.where(valid[:, None], sums / jnp.maximum(counts, 1.0)[:, None], 0.0)
    # ---- push loss: pairwise Manhattan distances among valid centroids ----
    diff = jnp.sum(jnp.abs(centroids[:, None, :] - centroids[None, :, :]), axis=-1)  # [K, K]
    hinge = jax.nn.relu(PUSH_MARGIN - diff)
    idx = jnp.arange(K)
    pair_mask = valid[:, None] & valid[None, :] & (idx[:, None] < idx[None, :])
    push_err = jnp.where(pair_mask, hinge * hinge, 0.0)  # squared error metric
    n_valid = jnp.sum(valid.astype(jnp.float32))
    n_comp = n_valid * (n_valid - 1.0) / 2.0
    push_loss = jnp.where(n_valid >= 2.0, jnp.sum(push_err) / jnp.maximum(n_comp, 1.0), 0.0)
    # ---- pull loss: Manhattan distance of each embedding to its centroid ----
    gathered = jnp.take(centroids, lab, axis=0)                        # [N, d]
    pd = jnp.sum(jnp.abs(emb - gathered), axis=-1)                     # [N]
    pd = jax.nn.relu(pd - PULL_MARGIN)
    pull_loss = jnp.mean(pd * pd)
    # ---- regularization: mean squared value over valid centroids ----
    sq = centroids * centroids
    reg_num = jnp.sum(jnp.where(valid[:, None], sq, 0.0))
    reg_loss = reg_num / jnp.maximum(n_valid * d, 1.0)
    return PUSH_WEIGHT * push_loss + PULL_WEIGHT * pull_loss + REG_WEIGHT * reg_loss


def reference(embeddings, labels):
    losses = jax.vmap(_per_sample)(embeddings, labels)
    return jnp.mean(losses)

if __name__ == "__main__":
    import jax
    _d = setup_inputs()
    print(jax.jit(kernel)(*tuple(_d.values())))

</pallas_src>

<mosaic_0001>
#map = affine_map<(d0, d1) -> (0, 0, 0)>
#map1 = affine_map<(d0, d1) -> (0, 0)>
module attributes {stable_mosaic.version = 14 : i64} {
  func.func @_sc_loss(%arg0: i32, %arg1: i32, %arg2: memref<8x65536x64xf32, #tpu.memory_space<hbm>>, %arg3: memref<8x4194304xf32, #tpu.memory_space<hbm>>, %arg4: memref<8x65536xi32, #tpu.memory_space<hbm>>, %arg5: memref<8x16xf32, #tpu.memory_space<hbm>>, %arg6: memref<32x16xf32, #tpu.memory_space<hbm>>, %arg7: memref<128x64xf32, #tpu.memory_space<vmem>>, %arg8: memref<128x64xf32, #tpu.memory_space<vmem>>, %arg9: memref<128xi32, #tpu.memory_space<vmem>>, %arg10: memref<128xi32, #tpu.memory_space<vmem>>, %arg11: memref<128xi32, #tpu.memory_space<vmem>>, %arg12: memref<128xi32, #tpu.memory_space<vmem>>, %arg13: memref<128x16xf32, #tpu.memory_space<vmem>>, %arg14: memref<32768xf32, #tpu.memory_space<vmem>>, %arg15: memref<32768xf32, #tpu.memory_space<vmem>>, %arg16: memref<512xi32, #tpu.memory_space<vmem>>, %arg17: memref<512xi32, #tpu.memory_space<vmem>>, %arg18: memref<32x64xf32, #tpu.memory_space<vmem>>, %arg19: memref<2048xf32, #tpu.memory_space<vmem>>, %arg20: memref<32x16xf32, #tpu.memory_space<vmem>>, %arg21: memref<16xf32, #tpu.memory_space<vmem>>, %arg22: memref<128x64xf32, #tpu.memory_space<vmem_shared>>, %arg23: memref<128x16xf32, #tpu.memory_space<vmem_shared>>, %arg24: memref<!tpu.dma_semaphore, #tpu.memory_space<semaphore_mem>>, %arg25: memref<!tpu.dma_semaphore, #tpu.memory_space<semaphore_mem>>, %arg26: memref<!tpu.dma_semaphore, #tpu.memory_space<semaphore_mem>>, %arg27: memref<!tpu.dma_semaphore, #tpu.memory_space<semaphore_mem>>, %arg28: memref<!tpu.dma_semaphore, #tpu.memory_space<semaphore_mem>>, %arg29: memref<!tpu.dma_semaphore, #tpu.memory_space<semaphore_mem>>) attributes {dimension_semantics = [#tpu.dimension_semantics<core_parallel>, #tpu.dimension_semantics<subcore_parallel>], iteration_bounds = array<i64: 2, 16>, scalar_prefetch = 0 : i64, scratch_operands = 23 : i64, tpu.core_type = #tpu.core_type<sc_vector_subcore>, window_params = [{transform_indices = #map}, {transform_indices = #map1}, {transform_indices = #map1}, {transform_indices = #map1}, {transform_indices = #map1}]} {
    %jit3A = arith.constant 4 : i32
    %div3A = arith.divsi %arg1, %jit3A : i32
    %sign3A = arith.constant 0 : i32
    %sign3A_0 = arith.cmpi sgt, %arg1, %sign3A : i32
    %sign3A_1 = arith.extui %sign3A_0 : i1 to i32
    %sign3A_2 = arith.constant 0 : i32
    %sign3A_3 = arith.cmpi slt, %arg1, %sign3A_2 : i32
    %sign3A_4 = arith.extui %sign3A_3 : i1 to i32
    %sign3A_5 = arith.subi %sign3A_1, %sign3A_4 : i32
    %sign3A_6 = arith.constant 0 : i32
    %sign3A_7 = arith.cmpi sgt, %jit3A, %sign3A_6 : i32
    %sign3A_8 = arith.extui %sign3A_7 : i1 to i32
    %sign3A_9 = arith.constant 0 : i32
    %sign3A_10 = arith.cmpi slt, %jit3A, %sign3A_9 : i32
    %sign3A_11 = arith.extui %sign3A_10 : i1 to i32
    %sign3A_12 = arith.subi %sign3A_8, %sign3A_11 : i32
    %ne3A = arith.cmpi ne, %sign3A_5, %sign3A_12 : i32
    %rem3A = arith.remsi %arg1, %jit3A : i32
    %ne3A_13 = arith.constant 0 : i32
    %ne3A_14 = arith.cmpi ne, %rem3A, %ne3A_13 : i32
    %and3A = arith.andi %ne3A, %ne3A_14 : i1
    %sub3A = arith.constant 1 : i32
    %sub3A_15 = arith.subi %div3A, %sub3A : i32
    %select_n3A = arith.select %and3A, %sub3A_15, %div3A : i32
    %jit3A_16 = arith.constant 4 : i32
    %eq3A = arith.constant 0 : i32
    %eq3A_17 = arith.cmpi eq, %jit3A_16, %eq3A : i32
    %jit3A_18 = arith.constant 1 : i32
    %select_n3A_19 = arith.select %eq3A_17, %jit3A_18, %jit3A_16 : i32
    %rem3A_20 = arith.remsi %arg1, %select_n3A_19 : i32
    %ne3A_21 = arith.constant 0 : i32
    %ne3A_22 = arith.cmpi ne, %rem3A_20, %ne3A_21 : i32
    %lt3A = arith.constant 0 : i32
    %lt3A_23 = arith.cmpi slt, %rem3A_20, %lt3A : i32
    %lt3A_24 = arith.constant 0 : i32
    %lt3A_25 = arith.cmpi slt, %select_n3A_19, %lt3A_24 : i32
    %ne3A_26 = arith.xori %lt3A_23, %lt3A_25 : i1
    %and3A_27 = arith.andi %ne3A_26, %ne3A_22 : i1
    %add3A = arith.addi %rem3A_20, %select_n3A_19 : i32
    %select_n3A_28 = arith.select %and3A_27, %add3A, %rem3A_20 : i32
    %mul3A = arith.constant 4 : i32
    %mul3A_29 = arith.muli %mul3A, %arg0 : i32
    %add3A_30 = arith.addi %mul3A_29, %select_n3A : i32
    %mul3A_31 = arith.constant 16 : i32
    %mul3A_32 = arith.muli %arg0, %mul3A_31 : i32
    %add3A_33 = arith.addi %mul3A_32, %arg1 : i32
    %mul3A_34 = arith.constant 16384 : i32
    %mul3A_35 = arith.muli %select_n3A_28, %mul3A_34 : i32
    %broadcast_in_dim3A = arith.constant 0.000000e+00 : f32
    %broadcast_in_dim3A_36 = vector.broadcast %broadcast_in_dim3A : f32 to vector<16xf32>
    %broadcast_in_dim3A_37 = arith.constant 1.000000e+00 : f32
    %broadcast_in_dim3A_38 = vector.broadcast %broadcast_in_dim3A_37 : f32 to vector<16xf32>
    %iota3A = tpu.iota {dimensions = array<i32: 0>} : vector<16xi32>
    %scan3A = arith.constant 0 : i32
    %scan3A_39 = arith.constant 0 : i32
    %scan3A_40 = arith.constant 128 : i32
    %scan3A_41 = arith.addi %scan3A_39, %scan3A_40 : i32
    %scan3A_42 = arith.constant 1 : i32
    %scan3A_43 = scf.for %scan3A_175 = %scan3A_39 to %scan3A_41 step %scan3A_42 iter_args(%scan3A_176 = %scan3A) -> (i32)  : i32 {
      %swap3A_177 = arith.index_cast %scan3A_175 : i32 to index
      %swap3A_178 = arith.constant 0 : index
      %swap3A_179 = tpu.vector_load %arg13[%swap3A_177, %swap3A_178] {strides = array<i32>} : memref<128x16xf32, #tpu.memory_space<vmem>>, vector<16xf32>,
      tpu.vector_store %arg13[%swap3A_177, %swap3A_178], %broadcast_in_dim3A_38 {strides = array<i32>} : memref<128x16xf32, #tpu.memory_space<vmem>>, vector<16xf32>,
      %scan3A_180 = arith.constant 0 : i32
      scf.yield %scan3A_180 : i32
    }
    %scan3A_44 = arith.constant 128 : i32
    %eq3A_45 = arith.constant 0 : i32
    %eq3A_46 = arith.cmpi eq, %arg1, %eq3A_45 : i32
    %convert_element_type3A = arith.extui %eq3A_46 : i1 to i32
    %cond3A = arith.constant 0 : i32
    %cond3A_47 = arith.cmpi ne, %convert_element_type3A, %cond3A : i32
    scf.if %cond3A_47 {
      %scan3A_175 = arith.constant 0 : i32
      %scan3A_176 = arith.constant 0 : i32
      %scan3A_177 = arith.constant 128 : i32
      %scan3A_178 = arith.addi %scan3A_176, %scan3A_177 : i32
      %scan3A_179 = arith.constant 1 : i32
      %scan3A_180 = scf.for %scan3A_189 = %scan3A_176 to %scan3A_178 step %scan3A_179 iter_args(%scan3A_190 = %scan3A_175) -> (i32)  : i32 {
        %swap3A_191 = arith.index_cast %scan3A_189 : i32 to index
        %swap3A_192 = arith.constant 0 : index
        %swap3A_193 = tpu.vector_load %arg7[%swap3A_191, %swap3A_192] {strides = array<i32>} : memref<128x64xf32, #tpu.memory_space<vmem>>, vector<16xf32>,
        tpu.vector_store %arg7[%swap3A_191, %swap3A_192], %broadcast_in_dim3A_36 {strides = array<i32>} : memref<128x64xf32, #tpu.memory_space<vmem>>, vector<16xf32>,
        %swap3A_194 = arith.index_cast %scan3A_189 : i32 to index
        %swap3A_195 = arith.constant 16 : index
        %swap3A_196 = tpu.vector_load %arg7[%swap3A_194, %swap3A_195] {strides = array<i32>} : memref<128x64xf32, #tpu.memory_space<vmem>>, vector<16xf32>,
        tpu.vector_store %arg7[%swap3A_194, %swap3A_195], %broadcast_in_dim3A_36 {strides = array<i32>} : memref<128x64xf32, #tpu.memory_space<vmem>>, vector<16xf32>,
        %swap3A_197 = arith.index_cast %scan3A_189 : i32 to index
        %swap3A_198 = arith.constant 32 : index
        %swap3A_199 = tpu.vector_load %arg7[%swap3A_197, %swap3A_198] {strides = array<i32>} : memref<128x64xf32, #tpu.memory_space<vmem>>, vector<16xf32>,
        tpu.vector_store %arg7[%swap3A_197, %swap3A_198], %broadcast_in_dim3A_36 {strides = array<i32>} : memref<128x64xf32, #tpu.memory_space<vmem>>, vector<16xf32>,
        %swap3A_200 = arith.index_cast %scan3A_189 : i32 to index
        %swap3A_201 = arith.constant 48 : index
        %swap3A_202 = tpu.vector_load %arg7[%swap3A_200, %swap3A_201] {strides = array<i32>} : memref<128x64xf32, #tpu.memory_space<vmem>>, vector<16xf32>,
        tpu.vector_store %arg7[%swap3A_200, %swap3A_201], %broadcast_in_dim3A_36 {strides = array<i32>} : memref<128x64xf32, #tpu.memory_space<vmem>>, vector<16xf32>,
        %scan3A_203 = arith.constant 0 : i32
        scf.yield %scan3A_203 : i32
      }
      %scan3A_181 = arith.constant 128 : i32
      %scan3A_182 = arith.constant 0 : i32
      %scan3A_183 = arith.constant 0 : i32
      %scan3A_184 = arith.constant 32 : i32
      %scan3A_185 = arith.addi %scan3A_183, %scan3A_184 : i32
      %scan3A_186 = arith.constant 1 : i32
      %scan3A_187 = scf.for %scan3A_189 = %scan3A_183 to %scan3A_185 step %scan3A_186 iter_args(%scan3A_190 = %scan3A_182) -> (i32)  : i32 {
        %swap3A_191 = arith.index_cast %scan3A_189 : i32 to index
        %swap3A_192 = arith.constant 0 : index
        %swap3A_193 = tpu.vector_load %arg20[%swap3A_191, %swap3A_192] {strides = array<i32>} : memref<32x16xf32, #tpu.memory_space<vmem>>, vector<16xf32>,
        tpu.vector_store %arg20[%swap3A_191, %swap3A_192], %broadcast_in_dim3A_36 {strides = array<i32>} : memref<32x16xf32, #tpu.memory_space<vmem>>, vector<16xf32>,
        %scan3A_194 = arith.constant 0 : i32
        scf.yield %scan3A_194 : i32
      }
      %scan3A_188 = arith.constant 32 : i32
      "tpu.region"() ({
        %run_scoped3A = tpu.sem_alloc : memref<!tpu.dma_semaphore, #tpu.memory_space<semaphore_mem>>
        tpu.enqueue_dma source(%arg7 : memref<128x64xf32, #tpu.memory_space<vmem>>) target(%arg22 : memref<128x64xf32, #tpu.memory_space<vmem_shared>>) target_semaphore(%run_scoped3A : memref<!tpu.dma_semaphore, #tpu.memory_space<semaphore_mem>>)
        tpu.wait_dma2 semaphore(%run_scoped3A : memref<!tpu.dma_semaphore, #tpu.memory_space<semaphore_mem>>) src(%arg7 : memref<128x64xf32, #tpu.memory_space<vmem>>) dst(%arg22 : memref<128x64xf32, #tpu.memory_space<vmem_shared>>)
        tpu.yield
      }) : () -> ()
      "tpu.region"() ({
        %run_scoped3A = tpu.sem_alloc : memref<!tpu.dma_semaphore, #tpu.memory_space<semaphore_mem>>
        %dma_start3A_189 = arith.constant 0 : i32
        %dma_start3A_190 = arith.constant 0 : i32
        %dma_start3A_191 = tpu.memref_slice %arg23[%dma_start3A_189, %dma_start3A_190] : memref<128x16xf32, #tpu.memory_space<vmem_shared>> -> memref<32x16xf32, #tpu.memory_space<vmem_shared>>
        %dma_start3A_192 = arith.constant 0 : i32
        %dma_start3A_193 = arith.constant 0 : i32
        %dma_start3A_194 = tpu.memref_slice %arg23[%dma_start3A_192, %dma_start3A_193] : memref<128x16xf32, #tpu.memory_space<vmem_shared>> -> memref<32x16xf32, #tpu.memory_space<vmem_shared>>
        tpu.enqueue_dma source(%arg20 : memref<32x16xf32, #tpu.memory_space<vmem>>) target(%dma_start3A_194 : memref<32x16xf32, #tpu.memory_space<vmem_shared>>) target_semaphore(%run_scoped3A : memref<!tpu.dma_semaphore, #tpu.memory_space<semaphore_mem>>)
        %dma_wait3A_195 = arith.constant 0 : i32
        %dma_wait3A_196 = arith.constant 0 : i32
        %dma_wait3A_197 = tpu.memref_slice %arg23[%dma_wait3A_195, %dma_wait3A_196] : memref<128x16xf32, #tpu.memory_space<vmem_shared>> -> memref<32x16xf32, #tpu.memory_space<vmem_shared>>
        %dma_wait3A_198 = arith.constant 0 : i32
        %dma_wait3A_199 = arith.constant 0 : i32
        %dma_wait3A_200 = tpu.memref_slice %arg23[%dma_wait3A_198, %dma_wait3A_199] : memref<128x16xf32, #tpu.memory_space<vmem_shared>> -> memref<32x16xf32, #tpu.memory_space<vmem_shared>>
        tpu.wait_dma2 semaphore(%run_scoped3A : memref<!tpu.dma_semaphore, #tpu.memory_space<semaphore_mem>>) src(%arg20 : memref<32x16xf32, #tpu.memory_space<vmem>>) dst(%dma_wait3A_200 : memref<32x16xf32, #tpu.memory_space<vmem_shared>>)
        tpu.yield
      }) : () -> ()
      "tpu.region"() ({
        %run_scoped3A = tpu.sem_alloc : memref<!tpu.dma_semaphore, #tpu.memory_space<semaphore_mem>>
        %dma_start3A_189 = arith.constant 32 : i32
        %dma_start3A_190 = arith.constant 0 : i32
        %dma_start3A_191 = tpu.memref_slice %arg23[%dma_start3A_189, %dma_start3A_190] : memref<128x16xf32, #tpu.memory_space<vmem_shared>> -> memref<32x16xf32, #tpu.memory_space<vmem_shared>>
        %dma_start3A_192 = arith.constant 32 : i32
        %dma_start3A_193 = arith.constant 0 : i32
        %dma_start3A_194 = tpu.memref_slice %arg23[%dma_start3A_192, %dma_start3A_193] : memref<128x16xf32, #tpu.memory_space<vmem_shared>> -> memref<32x16xf32, #tpu.memory_space<vmem_shared>>
        tpu.enqueue_dma source(%arg20 : memref<32x16xf32, #tpu.memory_space<vmem>>) target(%dma_start3A_194 : memref<32x16xf32, #tpu.memory_space<vmem_shared>>) target_semaphore(%run_scoped3A : memref<!tpu.dma_semaphore, #tpu.memory_space<semaphore_mem>>)
        %dma_wait3A_195 = arith.constant 32 : i32
        %dma_wait3A_196 = arith.constant 0 : i32
        %dma_wait3A_197 = tpu.memref_slice %arg23[%dma_wait3A_195, %dma_wait3A_196] : memref<128x16xf32, #tpu.memory_space<vmem_shared>> -> memref<32x16xf32, #tpu.memory_space<vmem_shared>>
        %dma_wait3A_198 = arith.constant 32 : i32
        %dma_wait3A_199 = arith.constant 0 : i32
        %dma_wait3A_200 = tpu.memref_slice %arg23[%dma_wait3A_198, %dma_wait3A_199] : memref<128x16xf32, #tpu.memory_space<vmem_shared>> -> memref<32x16xf32, #tpu.memory_space<vmem_shared>>
        tpu.wait_dma2 semaphore(%run_scoped3A : memref<!tpu.dma_semaphore, #tpu.memory_space<semaphore_mem>>) src(%arg20 : memref<32x16xf32, #tpu.memory_space<vmem>>) dst(%dma_wait3A_200 : memref<32x16xf32, #tpu.memory_space<vmem_shared>>)
        tpu.yield
      }) : () -> ()
      "tpu.region"() ({
        %run_scoped3A = tpu.sem_alloc : memref<!tpu.dma_semaphore, #tpu.memory_space<semaphore_mem>>
        %dma_start3A_189 = arith.constant 64 : i32
        %dma_start3A_190 = arith.constant 0 : i32
        %dma_start3A_191 = tpu.memref_slice %arg23[%dma_start3A_189, %dma_start3A_190] : memref<128x16xf32, #tpu.memory_space<vmem_shared>> -> memref<32x16xf32, #tpu.memory_space<vmem_shared>>
        %dma_start3A_192 = arith.constant 64 : i32
        %dma_start3A_193 = arith.constant 0 : i32
        %dma_start3A_194 = tpu.memref_slice %arg23[%dma_start3A_192, %dma_start3A_193] : memref<128x16xf32, #tpu.memory_space<vmem_shared>> -> memref<32x16xf32, #tpu.memory_space<vmem_shared>>
        tpu.enqueue_dma source(%arg20 : memref<32x16xf32, #tpu.memory_space<vmem>>) target(%dma_start3A_194 : memref<32x16xf32, #tpu.memory_space<vmem_shared>>) target_semaphore(%run_scoped3A : memref<!tpu.dma_semaphore, #tpu.memory_space<semaphore_mem>>)
        %dma_wait3A_195 = arith.constant 64 : i32
        %dma_wait3A_196 = arith.constant 0 : i32
        %dma_wait3A_197 = tpu.memref_slice %arg23[%dma_wait3A_195, %dma_wait3A_196] : memref<128x16xf32, #tpu.memory_space<vmem_shared>> -> memref<32x16xf32, #tpu.memory_space<vmem_shared>>
        %dma_wait3A_198 = arith.constant 64 : i32
        %dma_wait3A_199 = arith.constant 0 : i32
        %dma_wait3A_200 = tpu.memref_slice %arg23[%dma_wait3A_198, %dma_wait3A_199] : memref<128x16xf32, #tpu.memory_space<vmem_shared>> -> memref<32x16xf32, #tpu.memory_space<vmem_shared>>
        tpu.wait_dma2 semaphore(%run_scoped3A : memref<!tpu.dma_semaphore, #tpu.memory_space<semaphore_mem>>) src(%arg20 : memref<32x16xf32, #tpu.memory_space<vmem>>) dst(%dma_wait3A_200 : memref<32x16xf32, #tpu.memory_space<vmem_shared>>)
        tpu.yield
      }) : () -> ()
      "tpu.region"() ({
        %run_scoped3A = tpu.sem_alloc : memref<!tpu.dma_semaphore, #tpu.memory_space<semaphore_mem>>
        %dma_start3A_189 = arith.constant 96 : i32
        %dma_start3A_190 = arith.constant 0 : i32
        %dma_start3A_191 = tpu.memref_slice %arg23[%dma_start3A_189, %dma_start3A_190] : memref<128x16xf32, #tpu.memory_space<vmem_shared>> -> memref<32x16xf32, #tpu.memory_space<vmem_shared>>
        %dma_start3A_192 = arith.constant 96 : i32
        %dma_start3A_193 = arith.constant 0 : i32
        %dma_start3A_194 = tpu.memref_slice %arg23[%dma_start3A_192, %dma_start3A_193] : memref<128x16xf32, #tpu.memory_space<vmem_shared>> -> memref<32x16xf32, #tpu.memory_space<vmem_shared>>
        tpu.enqueue_dma source(%arg20 : memref<32x16xf32, #tpu.memory_space<vmem>>) target(%dma_start3A_194 : memref<32x16xf32, #tpu.memory_space<vmem_shared>>) target_semaphore(%run_scoped3A : memref<!tpu.dma_semaphore, #tpu.memory_space<semaphore_mem>>)
        %dma_wait3A_195 = arith.constant 96 : i32
        %dma_wait3A_196 = arith.constant 0 : i32
        %dma_wait3A_197 = tpu.memref_slice %arg23[%dma_wait3A_195, %dma_wait3A_196] : memref<128x16xf32, #tpu.memory_space<vmem_shared>> -> memref<32x16xf32, #tpu.memory_space<vmem_shared>>
        %dma_wait3A_198 = arith.constant 96 : i32
        %dma_wait3A_199 = arith.constant 0 : i32
        %dma_wait3A_200 = tpu.memref_slice %arg23[%dma_wait3A_198, %dma_wait3A_199] : memref<128x16xf32, #tpu.memory_space<vmem_shared>> -> memref<32x16xf32, #tpu.memory_space<vmem_shared>>
        tpu.wait_dma2 semaphore(%run_scoped3A : memref<!tpu.dma_semaphore, #tpu.memory_space<semaphore_mem>>) src(%arg20 : memref<32x16xf32, #tpu.memory_space<vmem>>) dst(%dma_wait3A_200 : memref<32x16xf32, #tpu.memory_space<vmem_shared>>)
        tpu.yield
      }) : () -> ()
    } else {
    }
    %barrier3A = arith.constant 0 : index
    tpu.barrier barrier_id(%barrier3A)
    %mul3A_48 = arith.constant 32 : i32
    %mul3A_49 = arith.muli %mul3A_48, %select_n3A : i32
    %add3A_50 = arith.constant 0 : i32
    %add3A_51 = arith.addi %mul3A_35, %add3A_50 : i32
    %dma_start3A = arith.constant 0 : i32
    %dma_start3A_52 = tpu.memref_slice %arg2[%add3A_30, %add3A_51, %dma_start3A] : memref<8x65536x64xf32, #tpu.memory_space<hbm>> -> memref<1x128x64xf32, #tpu.memory_space<hbm>>
    %dma_start3A_53 = tpu.memref_squeeze %dma_start3A_52 : memref<1x128x64xf32, #tpu.memory_space<hbm>> -> memref<128x64xf32, #tpu.memory_space<hbm>>
    %dma_start3A_54 = arith.constant 0 : i32
    %dma_start3A_55 = tpu.memref_slice %arg2[%add3A_30, %add3A_51, %dma_start3A_54] : memref<8x65536x64xf32, #tpu.memory_space<hbm>> -> memref<1x128x64xf32, #tpu.memory_space<hbm>>
    %dma_start3A_56 = tpu.memref_squeeze %dma_start3A_55 : memref<1x128x64xf32, #tpu.memory_space<hbm>> -> memref<128x64xf32, #tpu.memory_space<hbm>>
    tpu.enqueue_dma source(%dma_start3A_56 : memref<128x64xf32, #tpu.memory_space<hbm>>) target(%arg7 : memref<128x64xf32, #tpu.memory_space<vmem>>) target_semaphore(%arg24 : memref<!tpu.dma_semaphore, #tpu.memory_space<semaphore_mem>>)
    %dma_start3A_57 = tpu.memref_slice %arg4[%add3A_30, %add3A_51] : memref<8x65536xi32, #tpu.memory_space<hbm>> -> memref<1x128xi32, #tpu.memory_space<hbm>>
    %dma_start3A_58 = tpu.memref_squeeze %dma_start3A_57 : memref<1x128xi32, #tpu.memory_space<hbm>> -> memref<128xi32, #tpu.memory_space<hbm>>
    %dma_start3A_59 = tpu.memref_slice %arg4[%add3A_30, %add3A_51] : memref<8x65536xi32, #tpu.memory_space<hbm>> -> memref<1x128xi32, #tpu.memory_space<hbm>>
    %dma_start3A_60 = tpu.memref_squeeze %dma_start3A_59 : memref<1x128xi32, #tpu.memory_space<hbm>> -> memref<128xi32, #tpu.memory_space<hbm>>
    tpu.enqueue_dma source(%dma_start3A_60 : memref<128xi32, #tpu.memory_space<hbm>>) target(%arg9 : memref<128xi32, #tpu.memory_space<vmem>>) target_semaphore(%arg26 : memref<!tpu.dma_semaphore, #tpu.memory_space<semaphore_mem>>)
    %add3A_61 = arith.constant 128 : i32
    %add3A_62 = arith.addi %mul3A_35, %add3A_61 : i32
    %dma_start3A_63 = arith.constant 0 : i32
    %dma_start3A_64 = tpu.memref_slice %arg2[%add3A_30, %add3A_62, %dma_start3A_63] : memref<8x65536x64xf32, #tpu.memory_space<hbm>> -> memref<1x128x64xf32, #tpu.memory_space<hbm>>
    %dma_start3A_65 = tpu.memref_squeeze %dma_start3A_64 : memref<1x128x64xf32, #tpu.memory_space<hbm>> -> memref<128x64xf32, #tpu.memory_space<hbm>>
    %dma_start3A_66 = arith.constant 0 : i32
    %dma_start3A_67 = tpu.memref_slice %arg2[%add3A_30, %add3A_62, %dma_start3A_66] : memref<8x65536x64xf32, #tpu.memory_space<hbm>> -> memref<1x128x64xf32, #tpu.memory_space<hbm>>
    %dma_start3A_68 = tpu.memref_squeeze %dma_start3A_67 : memref<1x128x64xf32, #tpu.memory_space<hbm>> -> memref<128x64xf32, #tpu.memory_space<hbm>>
    tpu.enqueue_dma source(%dma_start3A_68 : memref<128x64xf32, #tpu.memory_space<hbm>>) target(%arg8 : memref<128x64xf32, #tpu.memory_space<vmem>>) target_semaphore(%arg25 : memref<!tpu.dma_semaphore, #tpu.memory_space<semaphore_mem>>)
    %dma_start3A_69 = tpu.memref_slice %arg4[%add3A_30, %add3A_62] : memref<8x65536xi32, #tpu.memory_space<hbm>> -> memref<1x128xi32, #tpu.memory_space<hbm>>
    %dma_start3A_70 = tpu.memref_squeeze %dma_start3A_69 : memref<1x128xi32, #tpu.memory_space<hbm>> -> memref<128xi32, #tpu.memory_space<hbm>>
    %dma_start3A_71 = tpu.memref_slice %arg4[%add3A_30, %add3A_62] : memref<8x65536xi32, #tpu.memory_space<hbm>> -> memref<1x128xi32, #tpu.memory_space<hbm>>
    %dma_start3A_72 = tpu.memref_squeeze %dma_start3A_71 : memref<1x128xi32, #tpu.memory_space<hbm>> -> memref<128xi32, #tpu.memory_space<hbm>>
    tpu.enqueue_dma source(%dma_start3A_72 : memref<128xi32, #tpu.memory_space<hbm>>) target(%arg10 : memref<128xi32, #tpu.memory_space<vmem>>) target_semaphore(%arg27 : memref<!tpu.dma_semaphore, #tpu.memory_space<semaphore_mem>>)
    %scan3A_73 = arith.constant 0 : i32
    %scan3A_74 = arith.constant 0 : i32
    %scan3A_75 = arith.constant 64 : i32
    %scan3A_76 = arith.addi %scan3A_74, %scan3A_75 : i32
    %scan3A_77 = arith.constant 1 : i32
    %scan3A_78 = scf.for %scan3A_175 = %scan3A_74 to %scan3A_76 step %scan3A_77 iter_args(%scan3A_176 = %scan3A_73) -> (i32)  : i32 {
      %mul3A_177 = arith.constant 2 : i32
      %mul3A_178 = arith.muli %mul3A_177, %scan3A_175 : i32
      %dma_wait3A_179 = arith.constant 0 : i32
      %dma_wait3A_180 = arith.constant 0 : i32
      %dma_wait3A_181 = tpu.memref_slice %arg2[%add3A_30, %dma_wait3A_179, %dma_wait3A_180] : memref<8x65536x64xf32, #tpu.memory_space<hbm>> -> memref<1x128x64xf32, #tpu.memory_space<hbm>>
      %dma_wait3A_182 = tpu.memref_squeeze %dma_wait3A_181 : memref<1x128x64xf32, #tpu.memory_space<hbm>> -> memref<128x64xf32, #tpu.memory_space<hbm>>
      %dma_wait3A_183 = arith.constant 0 : i32
      %dma_wait3A_184 = arith.constant 0 : i32
      %dma_wait3A_185 = tpu.memref_slice %arg2[%add3A_30, %dma_wait3A_183, %dma_wait3A_184] : memref<8x65536x64xf32, #tpu.memory_space<hbm>> -> memref<1x128x64xf32, #tpu.memory_space<hbm>>
      %dma_wait3A_186 = tpu.memref_squeeze %dma_wait3A_185 : memref<1x128x64xf32, #tpu.memory_space<hbm>> -> memref<128x64xf32, #tpu.memory_space<hbm>>
      tpu.wait_dma2 semaphore(%arg24 : memref<!tpu.dma_semaphore, #tpu.memory_space<semaphore_mem>>) src(%dma_wait3A_186 : memref<128x64xf32, #tpu.memory_space<hbm>>) dst(%arg7 : memref<128x64xf32, #tpu.memory_space<vmem>>)
      %dma_wait3A_187 = arith.constant 0 : i32
      %dma_wait3A_188 = tpu.memref_slice %arg4[%add3A_30, %dma_wait3A_187] : memref<8x65536xi32, #tpu.memory_space<hbm>> -> memref<1x128xi32, #tpu.memory_space<hbm>>
      %dma_wait3A_189 = tpu.memref_squeeze %dma_wait3A_188 : memref<1x128xi32, #tpu.memory_space<hbm>> -> memref<128xi32, #tpu.memory_space<hbm>>
      %dma_wait3A_190 = arith.constant 0 : i32
      %dma_wait3A_191 = tpu.memref_slice %arg4[%add3A_30, %dma_wait3A_190] : memref<8x65536xi32, #tpu.memory_space<hbm>> -> memref<1x128xi32, #tpu.memory_space<hbm>>
      %dma_wait3A_192 = tpu.memref_squeeze %dma_wait3A_191 : memref<1x128xi32, #tpu.memory_space<hbm>> -> memref<128xi32, #tpu.memory_space<hbm>>
      tpu.wait_dma2 semaphore(%arg26 : memref<!tpu.dma_semaphore, #tpu.memory_space<semaphore_mem>>) src(%dma_wait3A_192 : memref<128xi32, #tpu.memory_space<hbm>>) dst(%arg9 : memref<128xi32, #tpu.memory_space<vmem>>)
      %get3A = arith.constant 0 : index
      %get3A_193 = tpu.vector_load %arg9[%get3A] {strides = array<i32>} : memref<128xi32, #tpu.memory_space<vmem>>, vector<16xi32>,
      %add3A_194 = vector.broadcast %mul3A_49 : i32 to vector<16xi32>
      %add3A_195 = arith.addi %get3A_193, %add3A_194 : vector<16xi32>
      %swap3A_196 = arith.constant 0 : index
      %swap3A_197 = tpu.vector_load %arg11[%swap3A_196] {strides = array<i32>} : memref<128xi32, #tpu.memory_space<vmem>>, vector<16xi32>,
      tpu.vector_store %arg11[%swap3A_196], %add3A_195 {strides = array<i32>} : memref<128xi32, #tpu.memory_space<vmem>>, vector<16xi32>,
      %get3A_198 = arith.constant 16 : index
      %get3A_199 = tpu.vector_load %arg9[%get3A_198] {strides = array<i32>} : memref<128xi32, #tpu.memory_space<vmem>>, vector<16xi32>,
      %add3A_200 = vector.broadcast %mul3A_49 : i32 to vector<16xi32>
      %add3A_201 = arith.addi %get3A_199, %add3A_200 : vector<16xi32>
      %swap3A_202 = arith.constant 16 : index
      %swap3A_203 = tpu.vector_load %arg11[%swap3A_202] {strides = array<i32>} : memref<128xi32, #tpu.memory_space<vmem>>, vector<16xi32>,
      tpu.vector_store %arg11[%swap3A_202], %add3A_201 {strides = array<i32>} : memref<128xi32, #tpu.memory_space<vmem>>, vector<16xi32>,
      %get3A_204 = arith.constant 32 : index
      %get3A_205 = tpu.vector_load %arg9[%get3A_204] {strides = array<i32>} : memref<128xi32, #tpu.memory_space<vmem>>, vector<16xi32>,
      %add3A_206 = vector.broadcast %mul3A_49 : i32 to vector<16xi32>
      %add3A_207 = arith.addi %get3A_205, %add3A_206 : vector<16xi32>
      %swap3A_208 = arith.constant 32 : index
      %swap3A_209 = tpu.vector_load %arg11[%swap3A_208] {strides = array<i32>} : memref<128xi32, #tpu.memory_space<vmem>>, vector<16xi32>,
      tpu.vector_store %arg11[%swap3A_208], %add3A_207 {strides = array<i32>} : memref<128xi32, #tpu.memory_space<vmem>>, vector<16xi32>,
      %get3A_210 = arith.constant 48 : index
      %get3A_211 = tpu.vector_load %arg9[%get3A_210] {strides = array<i32>} : memref<128xi32, #tpu.memory_space<vmem>>, vector<16xi32>,
      %add3A_212 = vector.broadcast %mul3A_49 : i32 to vector<16xi32>
      %add3A_213 = arith.addi %get3A_211, %add3A_212 : vector<16xi32>
      %swap3A_214 = arith.constant 48 : index
      %swap3A_215 = tpu.vector_load %arg11[%swap3A_214] {strides = array<i32>} : memref<128xi32, #tpu.memory_space<vmem>>, vector<16xi32>,
      tpu.vector_store %arg11[%swap3A_214], %add3A_213 {strides = array<i32>} : memref<128xi32, #tpu.memory_space<vmem>>, vector<16xi32>,
      %get3A_216 = arith.constant 64 : index
      %get3A_217 = tpu.vector_load %arg9[%get3A_216] {strides = array<i32>} : memref<128xi32, #tpu.memory_space<vmem>>, vector<16xi32>,
      %add3A_218 = vector.broadcast %mul3A_49 : i32 to vector<16xi32>
      %add3A_219 = arith.addi %get3A_217, %add3A_218 : vector<16xi32>
      %swap3A_220 = arith.constant 64 : index
      %swap3A_221 = tpu.vector_load %arg11[%swap3A_220] {strides = array<i32>} : memref<128xi32, #tpu.memory_space<vmem>>, vector<16xi32>,
      tpu.vector_store %arg11[%swap3A_220], %add3A_219 {strides = array<i32>} : memref<128xi32, #tpu.memory_space<vmem>>, vector<16xi32>,
      %get3A_222 = arith.constant 80 : index
      %get3A_223 = tpu.vector_load %arg9[%get3A_222] {strides = array<i32>} : memref<128xi32, #tpu.memory_space<vmem>>, vector<16xi32>,
      %add3A_224 = vector.broadcast %mul3A_49 : i32 to vector<16xi32>
      %add3A_225 = arith.addi %get3A_223, %add3A_224 : vector<16xi32>
      %swap3A_226 = arith.constant 80 : index
      %swap3A_227 = tpu.vector_load %arg11[%swap3A_226] {strides = array<i32>} : memref<128xi32, #tpu.memory_space<vmem>>, vector<16xi32>,
      tpu.vector_store %arg11[%swap3A_226], %add3A_225 {strides = array<i32>} : memref<128xi32, #tpu.memory_space<vmem>>, vector<16xi32>,
      %get3A_228 = arith.constant 96 : index
      %get3A_229 = tpu.vector_load %arg9[%get3A_228] {strides = array<i32>} : memref<128xi32, #tpu.memory_space<vmem>>, vector<16xi32>,
      %add3A_230 = vector.broadcast %mul3A_49 : i32 to vector<16xi32>
      %add3A_231 = arith.addi %get3A_229, %add3A_230 : vector<16xi32>
      %swap3A_232 = arith.constant 96 : index
      %swap3A_233 = tpu.vector_load %arg11[%swap3A_232] {strides = array<i32>} : memref<128xi32, #tpu.memory_space<vmem>>, vector<16xi32>,
      tpu.vector_store %arg11[%swap3A_232], %add3A_231 {strides = array<i32>} : memref<128xi32, #tpu.memory_space<vmem>>, vector<16xi32>,
      %get3A_234 = arith.constant 112 : index
      %get3A_235 = tpu.vector_load %arg9[%get3A_234] {strides = array<i32>} : memref<128xi32, #tpu.memory_space<vmem>>, vector<16xi32>,
      %add3A_236 = vector.broadcast %mul3A_49 : i32 to vector<16xi32>
      %add3A_237 = arith.addi %get3A_235, %add3A_236 : vector<16xi32>
      %swap3A_238 = arith.constant 112 : index
      %swap3A_239 = tpu.vector_load %arg11[%swap3A_238] {strides = array<i32>} : memref<128xi32, #tpu.memory_space<vmem>>, vector<16xi32>,
      tpu.vector_store %arg11[%swap3A_238], %add3A_237 {strides = array<i32>} : memref<128xi32, #tpu.memory_space<vmem>>, vector<16xi32>,
      "tpu.region"() ({
        %run_scoped3A = tpu.sem_alloc : memref<!tpu.dma_semaphore, #tpu.memory_space<semaphore_mem>>
        %dma_start3A_340 = arith.constant 0 : i32
        %dma_start3A_341 = arith.constant 0 : i32
        %dma_start3A_342 = tpu.memref_slice %arg22[%dma_start3A_340, %dma_start3A_341] : memref<128x64xf32, #tpu.memory_space<vmem_shared>> -> memref<128x64xf32, #tpu.memory_space<vmem_shared>>
        tpu.enqueue_indirect_dma source(%arg7 : memref<128x64xf32, #tpu.memory_space<vmem>>) target(%dma_start3A_342 : memref<128x64xf32, #tpu.memory_space<vmem_shared>>) offsets(%arg11 : memref<128xi32, #tpu.memory_space<vmem>>) semaphore(%run_scoped3A : memref<!tpu.dma_semaphore, #tpu.memory_space<semaphore_mem>>) {add = true}
        %dma_wait3A_343 = arith.constant 0 : i32
        %dma_wait3A_344 = arith.constant 0 : i32
        %dma_wait3A_345 = tpu.memref_slice %arg22[%dma_wait3A_343, %dma_wait3A_344] : memref<128x64xf32, #tpu.memory_space<vmem_shared>> -> memref<128x64xf32, #tpu.memory_space<vmem_shared>>
        tpu.wait_indirect_dma semaphore(%run_scoped3A : memref<!tpu.dma_semaphore, #tpu.memory_space<semaphore_mem>>) src(%arg7 : memref<128x64xf32, #tpu.memory_space<vmem>>) dst(%dma_wait3A_345 : memref<128x64xf32, #tpu.memory_space<vmem_shared>>)
        tpu.yield
      }) : () -> ()
      "tpu.region"() ({
        %run_scoped3A = tpu.sem_alloc : memref<!tpu.dma_semaphore, #tpu.memory_space<semaphore_mem>>
        %dma_start3A_340 = arith.constant 0 : i32
        %dma_start3A_341 = arith.constant 0 : i32
        %dma_start3A_342 = tpu.memref_slice %arg23[%dma_start3A_340, %dma_start3A_341] : memref<128x16xf32, #tpu.memory_space<vmem_shared>> -> memref<128x16xf32, #tpu.memory_space<vmem_shared>>
        tpu.enqueue_indirect_dma source(%arg13 : memref<128x16xf32, #tpu.memory_space<vmem>>) target(%dma_start3A_342 : memref<128x16xf32, #tpu.memory_space<vmem_shared>>) offsets(%arg11 : memref<128xi32, #tpu.memory_space<vmem>>) semaphore(%run_scoped3A : memref<!tpu.dma_semaphore, #tpu.memory_space<semaphore_mem>>) {add = true}
        %dma_wait3A_343 = arith.constant 0 : i32
        %dma_wait3A_344 = arith.constant 0 : i32
        %dma_wait3A_345 = tpu.memref_slice %arg23[%dma_wait3A_343, %dma_wait3A_344] : memref<128x16xf32, #tpu.memory_space<vmem_shared>> -> memref<128x16xf32, #tpu.memory_space<vmem_shared>>
        tpu.wait_indirect_dma semaphore(%run_scoped3A : memref<!tpu.dma_semaphore, #tpu.memory_space<semaphore_mem>>) src(%arg13 : memref<128x16xf32, #tpu.memory_space<vmem>>) dst(%dma_wait3A_345 : memref<128x16xf32, #tpu.memory_space<vmem_shared>>)
        tpu.yield
      }) : () -> ()
      %add3A_240 = arith.constant 2 : i32
      %add3A_241 = arith.addi %mul3A_178, %add3A_240 : i32
      %min3A = arith.constant 127 : i32
      %min3A_242 = arith.minsi %add3A_241, %min3A : i32
      %mul3A_243 = arith.constant 128 : i32
      %mul3A_244 = arith.muli %min3A_242, %mul3A_243 : i32
      %add3A_245 = arith.addi %mul3A_35, %mul3A_244 : i32
      %dma_start3A_246 = arith.constant 0 : i32
      %dma_start3A_247 = tpu.memref_slice %arg2[%add3A_30, %add3A_245, %dma_start3A_246] : memref<8x65536x64xf32, #tpu.memory_space<hbm>> -> memref<1x128x64xf32, #tpu.memory_space<hbm>>
      %dma_start3A_248 = tpu.memref_squeeze %dma_start3A_247 : memref<1x128x64xf32, #tpu.memory_space<hbm>> -> memref<128x64xf32, #tpu.memory_space<hbm>>
      %dma_start3A_249 = arith.constant 0 : i32
      %dma_start3A_250 = tpu.memref_slice %arg2[%add3A_30, %add3A_245, %dma_start3A_249] : memref<8x65536x64xf32, #tpu.memory_space<hbm>> -> memref<1x128x64xf32, #tpu.memory_space<hbm>>
      %dma_start3A_251 = tpu.memref_squeeze %dma_start3A_250 : memref<1x128x64xf32, #tpu.memory_space<hbm>> -> memref<128x64xf32, #tpu.memory_space<hbm>>
      tpu.enqueue_dma source(%dma_start3A_251 : memref<128x64xf32, #tpu.memory_space<hbm>>) target(%arg7 : memref<128x64xf32, #tpu.memory_space<vmem>>) target_semaphore(%arg24 : memref<!tpu.dma_semaphore, #tpu.memory_space<semaphore_mem>>)
      %dma_start3A_252 = tpu.memref_slice %arg4[%add3A_30, %add3A_245] : memref<8x65536xi32, #tpu.memory_space<hbm>> -> memref<1x128xi32, #tpu.memory_space<hbm>>
      %dma_start3A_253 = tpu.memref_squeeze %dma_start3A_252 : memref<1x128xi32, #tpu.memory_space<hbm>> -> memref<128xi32, #tpu.memory_space<hbm>>
      %dma_start3A_254 = tpu.memref_slice %arg4[%add3A_30, %add3A_245] : memref<8x65536xi32, #tpu.memory_space<hbm>> -> memref<1x128xi32, #tpu.memory_space<hbm>>
      %dma_start3A_255 = tpu.memref_squeeze %dma_start3A_254 : memref<1x128xi32, #tpu.memory_space<hbm>> -> memref<128xi32, #tpu.memory_space<hbm>>
      tpu.enqueue_dma source(%dma_start3A_255 : memref<128xi32, #tpu.memory_space<hbm>>) target(%arg9 : memref<128xi32, #tpu.memory_space<vmem>>) target_semaphore(%arg26 : memref<!tpu.dma_semaphore, #tpu.memory_space<semaphore_mem>>)
      %mul3A_256 = arith.constant 2 : i32
      %mul3A_257 = arith.muli %mul3A_256, %scan3A_175 : i32
      %add3A_258 = arith.constant 1 : i32
      %add3A_259 = arith.addi %mul3A_257, %add3A_258 : i32
      %dma_wait3A_260 = arith.constant 0 : i32
      %dma_wait3A_261 = arith.constant 0 : i32
      %dma_wait3A_262 = tpu.memref_slice %arg2[%add3A_30, %dma_wait3A_260, %dma_wait3A_261] : memref<8x65536x64xf32, #tpu.memory_space<hbm>> -> memref<1x128x64xf32, #tpu.memory_space<hbm>>
      %dma_wait3A_263 = tpu.memref_squeeze %dma_wait3A_262 : memref<1x128x64xf32, #tpu.memory_space<hbm>> -> memref<128x64xf32, #tpu.memory_space<hbm>>
      %dma_wait3A_264 = arith.constant 0 : i32
      %dma_wait3A_265 = arith.constant 0 : i32
      %dma_wait3A_266 = tpu.memref_slice %arg2[%add3A_30, %dma_wait3A_264, %dma_wait3A_265] : memref<8x65536x64xf32, #tpu.memory_space<hbm>> -> memref<1x128x64xf32, #tpu.memory_space<hbm>>
      %dma_wait3A_267 = tpu.memref_squeeze %dma_wait3A_266 : memref<1x128x64xf32, #tpu.memory_space<hbm>> -> memref<128x64xf32, #tpu.memory_space<hbm>>
      tpu.wait_dma2 semaphore(%arg25 : memref<!tpu.dma_semaphore, #tpu.memory_space<semaphore_mem>>) src(%dma_wait3A_267 : memref<128x64xf32, #tpu.memory_space<hbm>>) dst(%arg8 : memref<128x64xf32, #tpu.memory_space<vmem>>)
      %dma_wait3A_268 = arith.constant 0 : i32
      %dma_wait3A_269 = tpu.memref_slice %arg4[%add3A_30, %dma_wait3A_268] : memref<8x65536xi32, #tpu.memory_space<hbm>> -> memref<1x128xi32, #tpu.memory_space<hbm>>
      %dma_wait3A_270 = tpu.memref_squeeze %dma_wait3A_269 : memref<1x128xi32, #tpu.memory_space<hbm>> -> memref<128xi32, #tpu.memory_space<hbm>>
      %dma_wait3A_271 = arith.constant 0 : i32
      %dma_wait3A_272 = tpu.memref_slice %arg4[%add3A_30, %dma_wait3A_271] : memref<8x65536xi32, #tpu.memory_space<hbm>> -> memref<1x128xi32, #tpu.memory_space<hbm>>
      %dma_wait3A_273 = tpu.memref_squeeze %dma_wait3A_272 : memref<1x128xi32, #tpu.memory_space<hbm>> -> memref<128xi32, #tpu.memory_space<hbm>>
      tpu.wait_dma2 semaphore(%arg27 : memref<!tpu.dma_semaphore, #tpu.memory_space<semaphore_mem>>) src(%dma_wait3A_273 : memref<128xi32, #tpu.memory_space<hbm>>) dst(%arg10 : memref<128xi32, #tpu.memory_space<vmem>>)
      %get3A_274 = arith.constant 0 : index
      %get3A_275 = tpu.vector_load %arg10[%get3A_274] {strides = array<i32>} : memref<128xi32, #tpu.memory_space<vmem>>, vector<16xi32>,
      %add3A_276 = vector.broadcast %mul3A_49 : i32 to vector<16xi32>
      %add3A_277 = arith.addi %get3A_275, %add3A_276 : vector<16xi32>
      %swap3A_278 = arith.constant 0 : index
      %swap3A_279 = tpu.vector_load %arg12[%swap3A_278] {strides = array<i32>} : memref<128xi32, #tpu.memory_space<vmem>>, vector<16xi32>,
      tpu.vector_store %arg12[%swap3A_278], %add3A_277 {strides = array<i32>} : memref<128xi32, #tpu.memory_space<vmem>>, vector<16xi32>,
      %get3A_280 = arith.constant 16 : index
      %get3A_281 = tpu.vector_load %arg10[%get3A_280] {strides = array<i32>} : memref<128xi32, #tpu.memory_space<vmem>>, vector<16xi32>,
      %add3A_282 = vector.broadcast %mul3A_49 : i32 to vector<16xi32>
      %add3A_283 = arith.addi %get3A_281, %add3A_282 : vector<16xi32>
      %swap3A_284 = arith.constant 16 : index
      %swap3A_285 = tpu.vector_load %arg12[%swap3A_284] {strides = array<i32>} : memref<128xi32, #tpu.memory_space<vmem>>, vector<16xi32>,
      tpu.vector_store %arg12[%swap3A_284], %add3A_283 {strides = array<i32>} : memref<128xi32, #tpu.memory_space<vmem>>, vector<16xi32>,
      %get3A_286 = arith.constant 32 : index
      %get3A_287 = tpu.vector_load %arg10[%get3A_286] {strides = array<i32>} : memref<128xi32, #tpu.memory_space<vmem>>, vector<16xi32>,
      %add3A_288 = vector.broadcast %mul3A_49 : i32 to vector<16xi32>
      %add3A_289 = arith.addi %get3A_287, %add3A_288 : vector<16xi32>
      %swap3A_290 = arith.constant 32 : index
      %swap3A_291 = tpu.vector_load %arg12[%swap3A_290] {strides = array<i32>} : memref<128xi32, #tpu.memory_space<vmem>>, vector<16xi32>,
      tpu.vector_store %arg12[%swap3A_290], %add3A_289 {strides = array<i32>} : memref<128xi32, #tpu.memory_space<vmem>>, vector<16xi32>,
      %get3A_292 = arith.constant 48 : index
      %get3A_293 = tpu.vector_load %arg10[%get3A_292] {strides = array<i32>} : memref<128xi32, #tpu.memory_space<vmem>>, vector<16xi32>,
      %add3A_294 = vector.broadcast %mul3A_49 : i32 to vector<16xi32>
      %add3A_295 = arith.addi %get3A_293, %add3A_294 : vector<16xi32>
      %swap3A_296 = arith.constant 48 : index
      %swap3A_297 = tpu.vector_load %arg12[%swap3A_296] {strides = array<i32>} : memref<128xi32, #tpu.memory_space<vmem>>, vector<16xi32>,
      tpu.vector_store %arg12[%swap3A_296], %add3A_295 {strides = array<i32>} : memref<128xi32, #tpu.memory_space<vmem>>, vector<16xi32>,
      %get3A_298 = arith.constant 64 : index
      %get3A_299 = tpu.vector_load %arg10[%get3A_298] {strides = array<i32>} : memref<128xi32, #tpu.memory_space<vmem>>, vector<16xi32>,
      %add3A_300 = vector.broadcast %mul3A_49 : i32 to vector<16xi32>
      %add3A_301 = arith.addi %get3A_299, %add3A_300 : vector<16xi32>
      %swap3A_302 = arith.constant 64 : index
      %swap3A_303 = tpu.vector_load %arg12[%swap3A_302] {strides = array<i32>} : memref<128xi32, #tpu.memory_space<vmem>>, vector<16xi32>,
      tpu.vector_store %arg12[%swap3A_302], %add3A_301 {strides = array<i32>} : memref<128xi32, #tpu.memory_space<vmem>>, vector<16xi32>,
      %get3A_304 = arith.constant 80 : index
      %get3A_305 = tpu.vector_load %arg10[%get3A_304] {strides = array<i32>} : memref<128xi32, #tpu.memory_space<vmem>>, vector<16xi32>,
      %add3A_306 = vector.broadcast %mul3A_49 : i32 to vector<16xi32>
      %add3A_307 = arith.addi %get3A_305, %add3A_306 : vector<16xi32>
      %swap3A_308 = arith.constant 80 : index
      %swap3A_309 = tpu.vector_load %arg12[%swap3A_308] {strides = array<i32>} : memref<128xi32, #tpu.memory_space<vmem>>, vector<16xi32>,
      tpu.vector_store %arg12[%swap3A_308], %add3A_307 {strides = array<i32>} : memref<128xi32, #tpu.memory_space<vmem>>, vector<16xi32>,
      %get3A_310 = arith.constant 96 : index
      %get3A_311 = tpu.vector_load %arg10[%get3A_310] {strides = array<i32>} : memref<128xi32, #tpu.memory_space<vmem>>, vector<16xi32>,
      %add3A_312 = vector.broadcast %mul3A_49 : i32 to vector<16xi32>
      %add3A_313 = arith.addi %get3A_311, %add3A_312 : vector<16xi32>
      %swap3A_314 = arith.constant 96 : index
      %swap3A_315 = tpu.vector_load %arg12[%swap3A_314] {strides = array<i32>} : memref<128xi32, #tpu.memory_space<vmem>>, vector<16xi32>,
      tpu.vector_store %arg12[%swap3A_314], %add3A_313 {strides = array<i32>} : memref<128xi32, #tpu.memory_space<vmem>>, vector<16xi32>,
      %get3A_316 = arith.constant 112 : index
      %get3A_317 = tpu.vector_load %arg10[%get3A_316] {strides = array<i32>} : memref<128xi32, #tpu.memory_space<vmem>>, vector<16xi32>,
      %add3A_318 = vector.broadcast %mul3A_49 : i32 to vector<16xi32>
      %add3A_319 = arith.addi %get3A_317, %add3A_318 : vector<16xi32>
      %swap3A_320 = arith.constant 112 : index
      %swap3A_321 = tpu.vector_load %arg12[%swap3A_320] {strides = array<i32>} : memref<128xi32, #tpu.memory_space<vmem>>, vector<16xi32>,
      tpu.vector_store %arg12[%swap3A_320], %add3A_319 {strides = array<i32>} : memref<128xi32, #tpu.memory_space<vmem>>, vector<16xi32>,
      "tpu.region"() ({
        %run_scoped3A = tpu.sem_alloc : memref<!tpu.dma_semaphore, #tpu.memory_space<semaphore_mem>>
        %dma_start3A_340 = arith.constant 0 : i32
        %dma_start3A_341 = arith.constant 0 : i32
        %dma_start3A_342 = tpu.memref_slice %arg22[%dma_start3A_340, %dma_start3A_341] : memref<128x64xf32, #tpu.memory_space<vmem_shared>> -> memref<128x64xf32, #tpu.memory_space<vmem_shared>>
        tpu.enqueue_indirect_dma source(%arg8 : memref<128x64xf32, #tpu.memory_space<vmem>>) target(%dma_start3A_342 : memref<128x64xf32, #tpu.memory_space<vmem_shared>>) offsets(%arg12 : memref<128xi32, #tpu.memory_space<vmem>>) semaphore(%run_scoped3A : memref<!tpu.dma_semaphore, #tpu.memory_space<semaphore_mem>>) {add = true}
        %dma_wait3A_343 = arith.constant 0 : i32
        %dma_wait3A_344 = arith.constant 0 : i32
        %dma_wait3A_345 = tpu.memref_slice %arg22[%dma_wait3A_343, %dma_wait3A_344] : memref<128x64xf32, #tpu.memory_space<vmem_shared>> -> memref<128x64xf32, #tpu.memory_space<vmem_shared>>
        tpu.wait_indirect_dma semaphore(%run_scoped3A : memref<!tpu.dma_semaphore, #tpu.memory_space<semaphore_mem>>) src(%arg8 : memref<128x64xf32, #tpu.memory_space<vmem>>) dst(%dma_wait3A_345 : memref<128x64xf32, #tpu.memory_space<vmem_shared>>)
        tpu.yield
      }) : () -> ()
      "tpu.region"() ({
        %run_scoped3A = tpu.sem_alloc : memref<!tpu.dma_semaphore, #tpu.memory_space<semaphore_mem>>
        %dma_start3A_340 = arith.constant 0 : i32
        %dma_start3A_341 = arith.constant 0 : i32
        %dma_start3A_342 = tpu.memref_slice %arg23[%dma_start3A_340, %dma_start3A_341] : memref<128x16xf32, #tpu.memory_space<vmem_shared>> -> memref<128x16xf32, #tpu.memory_space<vmem_shared>>
        tpu.enqueue_indirect_dma source(%arg13 : memref<128x16xf32, #tpu.memory_space<vmem>>) target(%dma_start3A_342 : memref<128x16xf32, #tpu.memory_space<vmem_shared>>) offsets(%arg12 : memref<128xi32, #tpu.memory_space<vmem>>) semaphore(%run_scoped3A : memref<!tpu.dma_semaphore, #tpu.memory_space<semaphore_mem>>) {add = true}
        %dma_wait3A_343 = arith.constant 0 : i32
        %dma_wait3A_344 = arith.constant 0 : i32
        %dma_wait3A_345 = tpu.memref_slice %arg23[%dma_wait3A_343, %dma_wait3A_344] : memref<128x16xf32, #tpu.memory_space<vmem_shared>> -> memref<128x16xf32, #tpu.memory_space<vmem_shared>>
        tpu.wait_indirect_dma semaphore(%run_scoped3A : memref<!tpu.dma_semaphore, #tpu.memory_space<semaphore_mem>>) src(%arg13 : memref<128x16xf32, #tpu.memory_space<vmem>>) dst(%dma_wait3A_345 : memref<128x16xf32, #tpu.memory_space<vmem_shared>>)
        tpu.yield
      }) : () -> ()
      %add3A_322 = arith.constant 2 : i32
      %add3A_323 = arith.addi %add3A_259, %add3A_322 : i32
      %min3A_324 = arith.constant 127 : i32
      %min3A_325 = arith.minsi %add3A_323, %min3A_324 : i32
      %mul3A_326 = arith.constant 128 : i32
      %mul3A_327 = arith.muli %min3A_325, %mul3A_326 : i32
      %add3A_328 = arith.addi %mul3A_35, %mul3A_327 : i32
      %dma_start3A_329 = arith.constant 0 : i32
      %dma_start3A_330 = tpu.memref_slice %arg2[%add3A_30, %add3A_328, %dma_start3A_329] : memref<8x65536x64xf32, #tpu.memory_space<hbm>> -> memref<1x128x64xf32, #tpu.memory_space<hbm>>
      %dma_start3A_331 = tpu.memref_squeeze %dma_start3A_330 : memref<1x128x64xf32, #tpu.memory_space<hbm>> -> memref<128x64xf32, #tpu.memory_space<hbm>>
      %dma_start3A_332 = arith.constant 0 : i32
      %dma_start3A_333 = tpu.memref_slice %arg2[%add3A_30, %add3A_328, %dma_start3A_332] : memref<8x65536x64xf32, #tpu.memory_space<hbm>> -> memref<1x128x64xf32, #tpu.memory_space<hbm>>
      %dma_start3A_334 = tpu.memref_squeeze %dma_start3A_333 : memref<1x128x64xf32, #tpu.memory_space<hbm>> -> memref<128x64xf32, #tpu.memory_space<hbm>>
      tpu.enqueue_dma source(%dma_start3A_334 : memref<128x64xf32, #tpu.memory_space<hbm>>) target(%arg8 : memref<128x64xf32, #tpu.memory_space<vmem>>) target_semaphore(%arg25 : memref<!tpu.dma_semaphore, #tpu.memory_space<semaphore_mem>>)
      %dma_start3A_335 = tpu.memref_slice %arg4[%add3A_30, %add3A_328] : memref<8x65536xi32, #tpu.memory_space<hbm>> -> memref<1x128xi32, #tpu.memory_space<hbm>>
      %dma_start3A_336 = tpu.memref_squeeze %dma_start3A_335 : memref<1x128xi32, #tpu.memory_space<hbm>> -> memref<128xi32, #tpu.memory_space<hbm>>
      %dma_start3A_337 = tpu.memref_slice %arg4[%add3A_30, %add3A_328] : memref<8x65536xi32, #tpu.memory_space<hbm>> -> memref<1x128xi32, #tpu.memory_space<hbm>>
      %dma_start3A_338 = tpu.memref_squeeze %dma_start3A_337 : memref<1x128xi32, #tpu.memory_space<hbm>> -> memref<128xi32, #tpu.memory_space<hbm>>
      tpu.enqueue_dma source(%dma_start3A_338 : memref<128xi32, #tpu.memory_space<hbm>>) target(%arg10 : memref<128xi32, #tpu.memory_space<vmem>>) target_semaphore(%arg27 : memref<!tpu.dma_semaphore, #tpu.memory_space<semaphore_mem>>)
      %scan3A_339 = arith.constant 0 : i32
      scf.yield %scan3A_339 : i32
    }
    %scan3A_79 = arith.constant 64 : i32
    %dma_wait3A = arith.constant 0 : i32
    %dma_wait3A_80 = arith.constant 0 : i32
    %dma_wait3A_81 = tpu.memref_slice %arg2[%add3A_30, %dma_wait3A, %dma_wait3A_80] : memref<8x65536x64xf32, #tpu.memory_space<hbm>> -> memref<1x128x64xf32, #tpu.memory_space<hbm>>
    %dma_wait3A_82 = tpu.memref_squeeze %dma_wait3A_81 : memref<1x128x64xf32, #tpu.memory_space<hbm>> -> memref<128x64xf32, #tpu.memory_space<hbm>>
    %dma_wait3A_83 = arith.constant 0 : i32
    %dma_wait3A_84 = arith.constant 0 : i32
    %dma_wait3A_85 = tpu.memref_slice %arg2[%add3A_30, %dma_wait3A_83, %dma_wait3A_84] : memref<8x65536x64xf32, #tpu.memory_space<hbm>> -> memref<1x128x64xf32, #tpu.memory_space<hbm>>
    %dma_wait3A_86 = tpu.memref_squeeze %dma_wait3A_85 : memref<1x128x64xf32, #tpu.memory_space<hbm>> -> memref<128x64xf32, #tpu.memory_space<hbm>>
    tpu.wait_dma2 semaphore(%arg24 : memref<!tpu.dma_semaphore, #tpu.memory_space<semaphore_mem>>) src(%dma_wait3A_86 : memref<128x64xf32, #tpu.memory_space<hbm>>) dst(%arg7 : memref<128x64xf32, #tpu.memory_space<vmem>>)
    %dma_wait3A_87 = arith.constant 0 : i32
    %dma_wait3A_88 = tpu.memref_slice %arg4[%add3A_30, %dma_wait3A_87] : memref<8x65536xi32, #tpu.memory_space<hbm>> -> memref<1x128xi32, #tpu.memory_space<hbm>>
    %dma_wait3A_89 = tpu.memref_squeeze %dma_wait3A_88 : memref<1x128xi32, #tpu.memory_space<hbm>> -> memref<128xi32, #tpu.memory_space<hbm>>
    %dma_wait3A_90 = arith.constant 0 : i32
    %dma_wait3A_91 = tpu.memref_slice %arg4[%add3A_30, %dma_wait3A_90] : memref<8x65536xi32, #tpu.memory_space<hbm>> -> memref<1x128xi32, #tpu.memory_space<hbm>>
    %dma_wait3A_92 = tpu.memref_squeeze %dma_wait3A_91 : memref<1x128xi32, #tpu.memory_space<hbm>> -> memref<128xi32, #tpu.memory_space<hbm>>
    tpu.wait_dma2 semaphore(%arg26 : memref<!tpu.dma_semaphore, #tpu.memory_space<semaphore_mem>>) src(%dma_wait3A_92 : memref<128xi32, #tpu.memory_space<hbm>>) dst(%arg9 : memref<128xi32, #tpu.memory_space<vmem>>)
    %dma_wait3A_93 = arith.constant 0 : i32
    %dma_wait3A_94 = arith.constant 0 : i32
    %dma_wait3A_95 = tpu.memref_slice %arg2[%add3A_30, %dma_wait3A_93, %dma_wait3A_94] : memref<8x65536x64xf32, #tpu.memory_space<hbm>> -> memref<1x128x64xf32, #tpu.memory_space<hbm>>
    %dma_wait3A_96 = tpu.memref_squeeze %dma_wait3A_95 : memref<1x128x64xf32, #tpu.memory_space<hbm>> -> memref<128x64xf32, #tpu.memory_space<hbm>>
    %dma_wait3A_97 = arith.constant 0 : i32
    %dma_wait3A_98 = arith.constant 0 : i32
    %dma_wait3A_99 = tpu.memref_slice %arg2[%add3A_30, %dma_wait3A_97, %dma_wait3A_98] : memref<8x65536x64xf32, #tpu.memory_space<hbm>> -> memref<1x128x64xf32, #tpu.memory_space<hbm>>
    %dma_wait3A_100 = tpu.memref_squeeze %dma_wait3A_99 : memref<1x128x64xf32, #tpu.memory_space<hbm>> -> memref<128x64xf32, #tpu.memory_space<hbm>>
    tpu.wait_dma2 semaphore(%arg25 : memref<!tpu.dma_semaphore, #tpu.memory_space<semaphore_mem>>) src(%dma_wait3A_100 : memref<128x64xf32, #tpu.memory_space<hbm>>) dst(%arg8 : memref<128x64xf32, #tpu.memory_space<vmem>>)
    %dma_wait3A_101 = arith.constant 0 : i32
    %dma_wait3A_102 = tpu.memref_slice %arg4[%add3A_30, %dma_wait3A_101] : memref<8x65536xi32, #tpu.memory_space<hbm>> -> memref<1x128xi32, #tpu.memory_space<hbm>>
    %dma_wait3A_103 = tpu.memref_squeeze %dma_wait3A_102 : memref<1x128xi32, #tpu.memory_space<hbm>> -> memref<128xi32, #tpu.memory_space<hbm>>
    %dma_wait3A_104 = arith.constant 0 : i32
    %dma_wait3A_105 = tpu.memref_slice %arg4[%add3A_30, %dma_wait3A_104] : memref<8x65536xi32, #tpu.memory_space<hbm>> -> memref<1x128xi32, #tpu.memory_space<hbm>>
    %dma_wait3A_106 = tpu.memref_squeeze %dma_wait3A_105 : memref<1x128xi32, #tpu.memory_space<hbm>> -> memref<128xi32, #tpu.memory_space<hbm>>
    tpu.wait_dma2 semaphore(%arg27 : memref<!tpu.dma_semaphore, #tpu.memory_space<semaphore_mem>>) src(%dma_wait3A_106 : memref<128xi32, #tpu.memory_space<hbm>>) dst(%arg10 : memref<128xi32, #tpu.memory_space<vmem>>)
    %barrier3A_107 = arith.constant 0 : index
    tpu.barrier barrier_id(%barrier3A_107)
    "tpu.region"() ({
      %run_scoped3A = tpu.sem_alloc : memref<!tpu.dma_semaphore, #tpu.memory_space<semaphore_mem>>
      %dma_start3A_175 = arith.constant 0 : i32
      %dma_start3A_176 = tpu.memref_slice %arg22[%mul3A_49, %dma_start3A_175] : memref<128x64xf32, #tpu.memory_space<vmem_shared>> -> memref<32x64xf32, #tpu.memory_space<vmem_shared>>
      %dma_start3A_177 = arith.constant 0 : i32
      %dma_start3A_178 = tpu.memref_slice %arg22[%mul3A_49, %dma_start3A_177] : memref<128x64xf32, #tpu.memory_space<vmem_shared>> -> memref<32x64xf32, #tpu.memory_space<vmem_shared>>
      tpu.enqueue_dma source(%dma_start3A_178 : memref<32x64xf32, #tpu.memory_space<vmem_shared>>) target(%arg18 : memref<32x64xf32, #tpu.memory_space<vmem>>) target_semaphore(%run_scoped3A : memref<!tpu.dma_semaphore, #tpu.memory_space<semaphore_mem>>)
      %dma_wait3A_179 = arith.constant 0 : i32
      %dma_wait3A_180 = tpu.memref_slice %arg22[%mul3A_49, %dma_wait3A_179] : memref<128x64xf32, #tpu.memory_space<vmem_shared>> -> memref<32x64xf32, #tpu.memory_space<vmem_shared>>
      %dma_wait3A_181 = arith.constant 0 : i32
      %dma_wait3A_182 = tpu.memref_slice %arg22[%mul3A_49, %dma_wait3A_181] : memref<128x64xf32, #tpu.memory_space<vmem_shared>> -> memref<32x64xf32, #tpu.memory_space<vmem_shared>>
      tpu.wait_dma2 semaphore(%run_scoped3A : memref<!tpu.dma_semaphore, #tpu.memory_space<semaphore_mem>>) src(%dma_wait3A_182 : memref<32x64xf32, #tpu.memory_space<vmem_shared>>) dst(%arg18 : memref<32x64xf32, #tpu.memory_space<vmem>>)
      tpu.yield
    }) : () -> ()
    "tpu.region"() ({
      %run_scoped3A = tpu.sem_alloc : memref<!tpu.dma_semaphore, #tpu.memory_space<semaphore_mem>>
      %dma_start3A_175 = arith.constant 0 : i32
      %dma_start3A_176 = tpu.memref_slice %arg23[%mul3A_49, %dma_start3A_175] : memref<128x16xf32, #tpu.memory_space<vmem_shared>> -> memref<32x16xf32, #tpu.memory_space<vmem_shared>>
      %dma_start3A_177 = arith.constant 0 : i32
      %dma_start3A_178 = tpu.memref_slice %arg23[%mul3A_49, %dma_start3A_177] : memref<128x16xf32, #tpu.memory_space<vmem_shared>> -> memref<32x16xf32, #tpu.memory_space<vmem_shared>>
      tpu.enqueue_dma source(%dma_start3A_178 : memref<32x16xf32, #tpu.memory_space<vmem_shared>>) target(%arg20 : memref<32x16xf32, #tpu.memory_space<vmem>>) target_semaphore(%run_scoped3A : memref<!tpu.dma_semaphore, #tpu.memory_space<semaphore_mem>>)
      %dma_wait3A_179 = arith.constant 0 : i32
      %dma_wait3A_180 = tpu.memref_slice %arg23[%mul3A_49, %dma_wait3A_179] : memref<128x16xf32, #tpu.memory_space<vmem_shared>> -> memref<32x16xf32, #tpu.memory_space<vmem_shared>>
      %dma_wait3A_181 = arith.constant 0 : i32
      %dma_wait3A_182 = tpu.memref_slice %arg23[%mul3A_49, %dma_wait3A_181] : memref<128x16xf32, #tpu.memory_space<vmem_shared>> -> memref<32x16xf32, #tpu.memory_space<vmem_shared>>
      tpu.wait_dma2 semaphore(%run_scoped3A : memref<!tpu.dma_semaphore, #tpu.memory_space<semaphore_mem>>) src(%dma_wait3A_182 : memref<32x16xf32, #tpu.memory_space<vmem_shared>>) dst(%arg20 : memref<32x16xf32, #tpu.memory_space<vmem>>)
      tpu.yield
    }) : () -> ()
    %scan3A_108 = arith.constant 0 : i32
    %scan3A_109 = arith.constant 0 : i32
    %scan3A_110 = arith.constant 32 : i32
    %scan3A_111 = arith.addi %scan3A_109, %scan3A_110 : i32
    %scan3A_112 = arith.constant 1 : i32
    %scan3A_113 = scf.for %scan3A_175 = %scan3A_109 to %scan3A_111 step %scan3A_112 iter_args(%scan3A_176 = %scan3A_108) -> (i32)  : i32 {
      %get3A = arith.index_cast %scan3A_175 : i32 to index
      %get3A_177 = arith.constant 0 : index
      %get3A_178 = tpu.vector_load %arg20[%get3A, %get3A_177] {strides = array<i32>} : memref<32x16xf32, #tpu.memory_space<vmem>>, vector<16xf32>,
      %max3A = arith.constant 1.000000e+00 : f32
      %max3A_179 = vector.broadcast %max3A : f32 to vector<16xf32>
      %max3A_180 = arith.maximumf %get3A_178, %max3A_179 : vector<16xf32>
      %gt3A = arith.constant 0.000000e+00 : f32
      %gt3A_181 = vector.broadcast %gt3A : f32 to vector<16xf32>
      %gt3A_182 = arith.cmpf ogt, %get3A_178, %gt3A_181 : vector<16xf32>
      %get3A_183 = arith.index_cast %scan3A_175 : i32 to index
      %get3A_184 = arith.constant 0 : index
      %get3A_185 = tpu.vector_load %arg18[%get3A_183, %get3A_184] {strides = array<i32>} : memref<32x64xf32, #tpu.memory_space<vmem>>, vector<16xf32>,
      %div3A_186 = arith.divf %get3A_185, %max3A_180 : vector<16xf32>
      %jit3A_187 = arith.constant 0.000000e+00 : f32
      %broadcast_in_dim3A_188 = vector.broadcast %jit3A_187 : f32 to vector<16xf32>
      %select_n3A_189 = arith.select %gt3A_182, %div3A_186, %broadcast_in_dim3A_188 : vector<16xi1>, vector<16xf32>
      %mul3A_190 = arith.constant 64 : i32
      %mul3A_191 = arith.muli %scan3A_175, %mul3A_190 : i32
      %add3A_192 = arith.constant 0 : i32
      %add3A_193 = arith.addi %mul3A_191, %add3A_192 : i32
      %swap3A_194 = arith.index_cast %add3A_193 : i32 to index
      %swap3A_195 = tpu.vector_load %arg19[%swap3A_194] {strides = array<i32>} : memref<2048xf32, #tpu.memory_space<vmem>>, vector<16xf32>,
      tpu.vector_store %arg19[%swap3A_194], %select_n3A_189 {strides = array<i32>} : memref<2048xf32, #tpu.memory_space<vmem>>, vector<16xf32>,
      %get3A_196 = arith.index_cast %scan3A_175 : i32 to index
      %get3A_197 = arith.constant 16 : index
      %get3A_198 = tpu.vector_load %arg18[%get3A_196, %get3A_197] {strides = array<i32>} : memref<32x64xf32, #tpu.memory_space<vmem>>, vector<16xf32>,
      %div3A_199 = arith.divf %get3A_198, %max3A_180 : vector<16xf32>
      %jit3A_200 = arith.constant 0.000000e+00 : f32
      %broadcast_in_dim3A_201 = vector.broadcast %jit3A_200 : f32 to vector<16xf32>
      %select_n3A_202 = arith.select %gt3A_182, %div3A_199, %broadcast_in_dim3A_201 : vector<16xi1>, vector<16xf32>
      %mul3A_203 = arith.constant 64 : i32
      %mul3A_204 = arith.muli %scan3A_175, %mul3A_203 : i32
      %add3A_205 = arith.constant 16 : i32
      %add3A_206 = arith.addi %mul3A_204, %add3A_205 : i32
      %swap3A_207 = arith.index_cast %add3A_206 : i32 to index
      %swap3A_208 = tpu.vector_load %arg19[%swap3A_207] {strides = array<i32>} : memref<2048xf32, #tpu.memory_space<vmem>>, vector<16xf32>,
      tpu.vector_store %arg19[%swap3A_207], %select_n3A_202 {strides = array<i32>} : memref<2048xf32, #tpu.memory_space<vmem>>, vector<16xf32>,
      %get3A_209 = arith.index_cast %scan3A_175 : i32 to index
      %get3A_210 = arith.constant 32 : index
      %get3A_211 = tpu.vector_load %arg18[%get3A_209, %get3A_210] {strides = array<i32>} : memref<32x64xf32, #tpu.memory_space<vmem>>, vector<16xf32>,
      %div3A_212 = arith.divf %get3A_211, %max3A_180 : vector<16xf32>
      %jit3A_213 = arith.constant 0.000000e+00 : f32
      %broadcast_in_dim3A_214 = vector.broadcast %jit3A_213 : f32 to vector<16xf32>
      %select_n3A_215 = arith.select %gt3A_182, %div3A_212, %broadcast_in_dim3A_214 : vector<16xi1>, vector<16xf32>
      %mul3A_216 = arith.constant 64 : i32
      %mul3A_217 = arith.muli %scan3A_175, %mul3A_216 : i32
      %add3A_218 = arith.constant 32 : i32
      %add3A_219 = arith.addi %mul3A_217, %add3A_218 : i32
      %swap3A_220 = arith.index_cast %add3A_219 : i32 to index
      %swap3A_221 = tpu.vector_load %arg19[%swap3A_220] {strides = array<i32>} : memref<2048xf32, #tpu.memory_space<vmem>>, vector<16xf32>,
      tpu.vector_store %arg19[%swap3A_220], %select_n3A_215 {strides = array<i32>} : memref<2048xf32, #tpu.memory_space<vmem>>, vector<16xf32>,
      %get3A_222 = arith.index_cast %scan3A_175 : i32 to index
      %get3A_223 = arith.constant 48 : index
      %get3A_224 = tpu.vector_load %arg18[%get3A_222, %get3A_223] {strides = array<i32>} : memref<32x64xf32, #tpu.memory_space<vmem>>, vector<16xf32>,
      %div3A_225 = arith.divf %get3A_224, %max3A_180 : vector<16xf32>
      %jit3A_226 = arith.constant 0.000000e+00 : f32
      %broadcast_in_dim3A_227 = vector.broadcast %jit3A_226 : f32 to vector<16xf32>
      %select_n3A_228 = arith.select %gt3A_182, %div3A_225, %broadcast_in_dim3A_227 : vector<16xi1>, vector<16xf32>
      %mul3A_229 = arith.constant 64 : i32
      %mul3A_230 = arith.muli %scan3A_175, %mul3A_229 : i32
      %add3A_231 = arith.constant 48 : i32
      %add3A_232 = arith.addi %mul3A_230, %add3A_231 : i32
      %swap3A_233 = arith.index_cast %add3A_232 : i32 to index
      %swap3A_234 = tpu.vector_load %arg19[%swap3A_233] {strides = array<i32>} : memref<2048xf32, #tpu.memory_space<vmem>>, vector<16xf32>,
      tpu.vector_store %arg19[%swap3A_233], %select_n3A_228 {strides = array<i32>} : memref<2048xf32, #tpu.memory_space<vmem>>, vector<16xf32>,
      %scan3A_235 = arith.constant 0 : i32
      scf.yield %scan3A_235 : i32
    }
    %scan3A_114 = arith.constant 32 : i32
    %eq3A_115 = arith.constant 0 : i32
    %eq3A_116 = arith.cmpi eq, %select_n3A_28, %eq3A_115 : i32
    %convert_element_type3A_117 = arith.extui %eq3A_116 : i1 to i32
    %cond3A_118 = arith.constant 0 : i32
    %cond3A_119 = arith.cmpi ne, %convert_element_type3A_117, %cond3A_118 : i32
    scf.if %cond3A_119 {
      %scan3A_175 = arith.constant 0 : i32
      %scan3A_176 = arith.constant 32 : i32
      %scan3A_177 = arith.addi %scan3A_175, %scan3A_176 : i32
      %scan3A_178 = arith.constant 1 : i32
      %scan3A_179 = scf.for %scan3A_248 = %scan3A_175 to %scan3A_177 step %scan3A_178 iter_args(%scan3A_249 = %broadcast_in_dim3A_36) -> (vector<16xf32>)  : i32 {
        %get3A = arith.index_cast %scan3A_248 : i32 to index
        %get3A_250 = arith.constant 0 : index
        %get3A_251 = tpu.vector_load %arg20[%get3A, %get3A_250] {strides = array<i32>} : memref<32x16xf32, #tpu.memory_space<vmem>>, vector<16xf32>,
        %gt3A = arith.constant 0.000000e+00 : f32
        %gt3A_252 = vector.broadcast %gt3A : f32 to vector<16xf32>
        %gt3A_253 = arith.cmpf ogt, %get3A_251, %gt3A_252 : vector<16xf32>
        %select_n3A_254 = arith.select %gt3A_253, %broadcast_in_dim3A_38, %broadcast_in_dim3A_36 : vector<16xi1>, vector<16xf32>
        %add3A_255 = arith.addf %scan3A_249, %select_n3A_254 : vector<16xf32>
        scf.yield %add3A_255 : vector<16xf32>
      }
      %scan3A_180 = arith.constant 32 : i32
      %scan3A_181 = arith.constant 0 : i32
      %scan3A_182 = arith.constant 32 : i32
      %scan3A_183 = arith.addi %scan3A_181, %scan3A_182 : i32
      %scan3A_184 = arith.constant 1 : i32
      %scan3A_185 = scf.for %scan3A_248 = %scan3A_181 to %scan3A_183 step %scan3A_184 iter_args(%scan3A_249 = %broadcast_in_dim3A_36) -> (vector<16xf32>)  : i32 {
        %mul3A_250 = arith.constant 64 : i32
        %mul3A_251 = arith.muli %scan3A_248, %mul3A_250 : i32
        %add3A_252 = arith.constant 0 : i32
        %add3A_253 = arith.addi %mul3A_251, %add3A_252 : i32
        %get3A = arith.index_cast %add3A_253 : i32 to index
        %get3A_254 = tpu.vector_load %arg19[%get3A] {strides = array<i32>} : memref<2048xf32, #tpu.memory_space<vmem>>, vector<16xf32>,
        %mul3A_255 = arith.constant 64 : i32
        %mul3A_256 = arith.muli %scan3A_248, %mul3A_255 : i32
        %add3A_257 = arith.constant 16 : i32
        %add3A_258 = arith.addi %mul3A_256, %add3A_257 : i32
        %get3A_259 = arith.index_cast %add3A_258 : i32 to index
        %get3A_260 = tpu.vector_load %arg19[%get3A_259] {strides = array<i32>} : memref<2048xf32, #tpu.memory_space<vmem>>, vector<16xf32>,
        %mul3A_261 = arith.constant 64 : i32
        %mul3A_262 = arith.muli %scan3A_248, %mul3A_261 : i32
        %add3A_263 = arith.constant 32 : i32
        %add3A_264 = arith.addi %mul3A_262, %add3A_263 : i32
        %get3A_265 = arith.index_cast %add3A_264 : i32 to index
        %get3A_266 = tpu.vector_load %arg19[%get3A_265] {strides = array<i32>} : memref<2048xf32, #tpu.memory_space<vmem>>, vector<16xf32>,
        %mul3A_267 = arith.constant 64 : i32
        %mul3A_268 = arith.muli %scan3A_248, %mul3A_267 : i32
        %add3A_269 = arith.constant 48 : i32
        %add3A_270 = arith.addi %mul3A_268, %add3A_269 : i32
        %get3A_271 = arith.index_cast %add3A_270 : i32 to index
        %get3A_272 = tpu.vector_load %arg19[%get3A_271] {strides = array<i32>} : memref<2048xf32, #tpu.memory_space<vmem>>, vector<16xf32>,
        %get3A_273 = arith.index_cast %scan3A_248 : i32 to index
        %get3A_274 = arith.constant 0 : index
        %get3A_275 = tpu.vector_load %arg20[%get3A_273, %get3A_274] {strides = array<i32>} : memref<32x16xf32, #tpu.memory_space<vmem>>, vector<16xf32>,
        %gt3A = arith.constant 0.000000e+00 : f32
        %gt3A_276 = vector.broadcast %gt3A : f32 to vector<16xf32>
        %gt3A_277 = arith.cmpf ogt, %get3A_275, %gt3A_276 : vector<16xf32>
        %broadcast_in_dim3A_278 = vector.broadcast %scan3A_248 : i32 to vector<16xi32>
        %scan3A_279 = arith.constant 0 : i32
        %scan3A_280 = arith.constant 32 : i32
        %scan3A_281 = arith.addi %scan3A_279, %scan3A_280 : i32
        %scan3A_282 = arith.constant 1 : i32
        %scan3A_283 = scf.for %scan3A_285 = %scan3A_279 to %scan3A_281 step %scan3A_282 iter_args(%scan3A_286 = %scan3A_249) -> (vector<16xf32>)  : i32 {
          %mul3A_287 = arith.constant 64 : i32
          %mul3A_288 = arith.muli %scan3A_285, %mul3A_287 : i32
          %add3A_289 = arith.constant 0 : i32
          %add3A_290 = arith.addi %mul3A_288, %add3A_289 : i32
          %get3A_291 = arith.index_cast %add3A_290 : i32 to index
          %get3A_292 = tpu.vector_load %arg19[%get3A_291] {strides = array<i32>} : memref<2048xf32, #tpu.memory_space<vmem>>, vector<16xf32>,
          %sub3A_293 = arith.subf %get3A_254, %get3A_292 : vector<16xf32>
          %abs3A = math.absf %sub3A_293 : vector<16xf32>
          %add3A_294 = arith.addf %broadcast_in_dim3A_36, %abs3A : vector<16xf32>
          %mul3A_295 = arith.constant 64 : i32
          %mul3A_296 = arith.muli %scan3A_285, %mul3A_295 : i32
          %add3A_297 = arith.constant 16 : i32
          %add3A_298 = arith.addi %mul3A_296, %add3A_297 : i32
          %get3A_299 = arith.index_cast %add3A_298 : i32 to index
          %get3A_300 = tpu.vector_load %arg19[%get3A_299] {strides = array<i32>} : memref<2048xf32, #tpu.memory_space<vmem>>, vector<16xf32>,
          %sub3A_301 = arith.subf %get3A_260, %get3A_300 : vector<16xf32>
          %abs3A_302 = math.absf %sub3A_301 : vector<16xf32>
          %add3A_303 = arith.addf %add3A_294, %abs3A_302 : vector<16xf32>
          %mul3A_304 = arith.constant 64 : i32
          %mul3A_305 = arith.muli %scan3A_285, %mul3A_304 : i32
          %add3A_306 = arith.constant 32 : i32
          %add3A_307 = arith.addi %mul3A_305, %add3A_306 : i32
          %get3A_308 = arith.index_cast %add3A_307 : i32 to index
          %get3A_309 = tpu.vector_load %arg19[%get3A_308] {strides = array<i32>} : memref<2048xf32, #tpu.memory_space<vmem>>, vector<16xf32>,
          %sub3A_310 = arith.subf %get3A_266, %get3A_309 : vector<16xf32>
          %abs3A_311 = math.absf %sub3A_310 : vector<16xf32>
          %add3A_312 = arith.addf %add3A_303, %abs3A_311 : vector<16xf32>
          %mul3A_313 = arith.constant 64 : i32
          %mul3A_314 = arith.muli %scan3A_285, %mul3A_313 : i32
          %add3A_315 = arith.constant 48 : i32
          %add3A_316 = arith.addi %mul3A_314, %add3A_315 : i32
          %get3A_317 = arith.index_cast %add3A_316 : i32 to index
          %get3A_318 = tpu.vector_load %arg19[%get3A_317] {strides = array<i32>} : memref<2048xf32, #tpu.memory_space<vmem>>, vector<16xf32>,
          %sub3A_319 = arith.subf %get3A_272, %get3A_318 : vector<16xf32>
          %abs3A_320 = math.absf %sub3A_319 : vector<16xf32>
          %add3A_321 = arith.addf %add3A_312, %abs3A_320 : vector<16xf32>
          %swap3A_322 = arith.constant 0 : index
          %swap3A_323 = tpu.vector_load %arg21[%swap3A_322] {strides = array<i32>} : memref<16xf32, #tpu.memory_space<vmem>>, vector<16xf32>,
          tpu.vector_store %arg21[%swap3A_322], %add3A_321 {strides = array<i32>} : memref<16xf32, #tpu.memory_space<vmem>>, vector<16xf32>,
          %xor3A_324 = arith.constant 8 : i32
          %xor3A_325 = vector.broadcast %xor3A_324 : i32 to vector<16xi32>
          %xor3A_326 = arith.xori %iota3A, %xor3A_325 : vector<16xi32>
          %gather3A_327 = tpu.vector_load_idx %arg21[%xor3A_326] : memref<16xf32, #tpu.memory_space<vmem>>[vector<16xi32>], vector<16xf32>,
          %add3A_328 = arith.addf %add3A_321, %gather3A_327 : vector<16xf32>
          %swap3A_329 = arith.constant 0 : index
          %swap3A_330 = tpu.vector_load %arg21[%swap3A_329] {strides = array<i32>} : memref<16xf32, #tpu.memory_space<vmem>>, vector<16xf32>,
          tpu.vector_store %arg21[%swap3A_329], %add3A_328 {strides = array<i32>} : memref<16xf32, #tpu.memory_space<vmem>>, vector<16xf32>,
          %xor3A_331 = arith.constant 4 : i32
          %xor3A_332 = vector.broadcast %xor3A_331 : i32 to vector<16xi32>
          %xor3A_333 = arith.xori %iota3A, %xor3A_332 : vector<16xi32>
          %gather3A_334 = tpu.vector_load_idx %arg21[%xor3A_333] : memref<16xf32, #tpu.memory_space<vmem>>[vector<16xi32>], vector<16xf32>,
          %add3A_335 = arith.addf %add3A_328, %gather3A_334 : vector<16xf32>
          %swap3A_336 = arith.constant 0 : index
          %swap3A_337 = tpu.vector_load %arg21[%swap3A_336] {strides = array<i32>} : memref<16xf32, #tpu.memory_space<vmem>>, vector<16xf32>,
          tpu.vector_store %arg21[%swap3A_336], %add3A_335 {strides = array<i32>} : memref<16xf32, #tpu.memory_space<vmem>>, vector<16xf32>,
          %xor3A_338 = arith.constant 2 : i32
          %xor3A_339 = vector.broadcast %xor3A_338 : i32 to vector<16xi32>
          %xor3A_340 = arith.xori %iota3A, %xor3A_339 : vector<16xi32>
          %gather3A_341 = tpu.vector_load_idx %arg21[%xor3A_340] : memref<16xf32, #tpu.memory_space<vmem>>[vector<16xi32>], vector<16xf32>,
          %add3A_342 = arith.addf %add3A_335, %gather3A_341 : vector<16xf32>
          %swap3A_343 = arith.constant 0 : index
          %swap3A_344 = tpu.vector_load %arg21[%swap3A_343] {strides = array<i32>} : memref<16xf32, #tpu.memory_space<vmem>>, vector<16xf32>,
          tpu.vector_store %arg21[%swap3A_343], %add3A_342 {strides = array<i32>} : memref<16xf32, #tpu.memory_space<vmem>>, vector<16xf32>,
          %xor3A_345 = arith.constant 1 : i32
          %xor3A_346 = vector.broadcast %xor3A_345 : i32 to vector<16xi32>
          %xor3A_347 = arith.xori %iota3A, %xor3A_346 : vector<16xi32>
          %gather3A_348 = tpu.vector_load_idx %arg21[%xor3A_347] : memref<16xf32, #tpu.memory_space<vmem>>[vector<16xi32>], vector<16xf32>,
          %add3A_349 = arith.addf %add3A_342, %gather3A_348 : vector<16xf32>
          %get3A_350 = arith.index_cast %scan3A_285 : i32 to index
          %get3A_351 = arith.constant 0 : index
          %get3A_352 = tpu.vector_load %arg20[%get3A_350, %get3A_351] {strides = array<i32>} : memref<32x16xf32, #tpu.memory_space<vmem>>, vector<16xf32>,
          %gt3A_353 = arith.constant 0.000000e+00 : f32
          %gt3A_354 = vector.broadcast %gt3A_353 : f32 to vector<16xf32>
          %gt3A_355 = arith.cmpf ogt, %get3A_352, %gt3A_354 : vector<16xf32>
          %broadcast_in_dim3A_356 = vector.broadcast %scan3A_285 : i32 to vector<16xi32>
          %lt3A_357 = arith.cmpi slt, %broadcast_in_dim3A_278, %broadcast_in_dim3A_356 : vector<16xi32>
          %and3A_358 = arith.andi %lt3A_357, %gt3A_277 : vector<16xi1>
          %and3A_359 = arith.andi %and3A_358, %gt3A_355 : vector<16xi1>
          %sub3A_360 = arith.constant 2.500000e-01 : f32
          %sub3A_361 = vector.broadcast %sub3A_360 : f32 to vector<16xf32>
          %sub3A_362 = arith.subf %sub3A_361, %add3A_349 : vector<16xf32>
          %max3A_363 = arith.constant 0.000000e+00 : f32
          %max3A_364 = vector.broadcast %max3A_363 : f32 to vector<16xf32>
          %max3A_365 = arith.maximumf %sub3A_362, %max3A_364 : vector<16xf32>
          %mul3A_366 = arith.mulf %max3A_365, %max3A_365 : vector<16xf32>
          %select_n3A_367 = arith.select %and3A_359, %mul3A_366, %broadcast_in_dim3A_36 : vector<16xi1>, vector<16xf32>
          %add3A_368 = arith.addf %scan3A_286, %select_n3A_367 : vector<16xf32>
          scf.yield %add3A_368 : vector<16xf32>
        }
        %scan3A_284 = arith.constant 32 : i32
        scf.yield %scan3A_283 : vector<16xf32>
      }
      %scan3A_186 = arith.constant 32 : i32
      %sub3A_187 = arith.constant 1.000000e+00 : f32
      %sub3A_188 = vector.broadcast %sub3A_187 : f32 to vector<16xf32>
      %sub3A_189 = arith.subf %scan3A_179, %sub3A_188 : vector<16xf32>
      %mul3A_190 = arith.mulf %scan3A_179, %sub3A_189 : vector<16xf32>
      %mul3A_191 = arith.constant 5.000000e-01 : f32
      %mul3A_192 = vector.broadcast %mul3A_191 : f32 to vector<16xf32>
      %mul3A_193 = arith.mulf %mul3A_190, %mul3A_192 : vector<16xf32>
      %ge3A = arith.constant 2.000000e+00 : f32
      %ge3A_194 = vector.broadcast %ge3A : f32 to vector<16xf32>
      %ge3A_195 = arith.cmpf oge, %scan3A_179, %ge3A_194 : vector<16xf32>
      %max3A = arith.constant 1.000000e+00 : f32
      %max3A_196 = vector.broadcast %max3A : f32 to vector<16xf32>
      %max3A_197 = arith.maximumf %mul3A_193, %max3A_196 : vector<16xf32>
      %div3A_198 = arith.divf %scan3A_185, %max3A_197 : vector<16xf32>
      %select_n3A_199 = arith.select %ge3A_195, %div3A_198, %broadcast_in_dim3A_36 : vector<16xi1>, vector<16xf32>
      %scan3A_200 = arith.constant 0 : i32
      %scan3A_201 = arith.constant 32 : i32
      %scan3A_202 = arith.addi %scan3A_200, %scan3A_201 : i32
      %scan3A_203 = arith.constant 1 : i32
      %scan3A_204 = scf.for %scan3A_248 = %scan3A_200 to %scan3A_202 step %scan3A_203 iter_args(%scan3A_249 = %broadcast_in_dim3A_36) -> (vector<16xf32>)  : i32 {
        %mul3A_250 = arith.constant 64 : i32
        %mul3A_251 = arith.muli %scan3A_248, %mul3A_250 : i32
        %add3A_252 = arith.constant 0 : i32
        %add3A_253 = arith.addi %mul3A_251, %add3A_252 : i32
        %get3A = arith.index_cast %add3A_253 : i32 to index
        %get3A_254 = tpu.vector_load %arg19[%get3A] {strides = array<i32>} : memref<2048xf32, #tpu.memory_space<vmem>>, vector<16xf32>,
        %mul3A_255 = arith.mulf %get3A_254, %get3A_254 : vector<16xf32>
        %add3A_256 = arith.addf %broadcast_in_dim3A_36, %mul3A_255 : vector<16xf32>
        %mul3A_257 = arith.constant 64 : i32
        %mul3A_258 = arith.muli %scan3A_248, %mul3A_257 : i32
        %add3A_259 = arith.constant 16 : i32
        %add3A_260 = arith.addi %mul3A_258, %add3A_259 : i32
        %get3A_261 = arith.index_cast %add3A_260 : i32 to index
        %get3A_262 = tpu.vector_load %arg19[%get3A_261] {strides = array<i32>} : memref<2048xf32, #tpu.memory_space<vmem>>, vector<16xf32>,
        %mul3A_263 = arith.mulf %get3A_262, %get3A_262 : vector<16xf32>
        %add3A_264 = arith.addf %add3A_256, %mul3A_263 : vector<16xf32>
        %mul3A_265 = arith.constant 64 : i32
        %mul3A_266 = arith.muli %scan3A_248, %mul3A_265 : i32
        %add3A_267 = arith.constant 32 : i32
        %add3A_268 = arith.addi %mul3A_266, %add3A_267 : i32
        %get3A_269 = arith.index_cast %add3A_268 : i32 to index
        %get3A_270 = tpu.vector_load %arg19[%get3A_269] {strides = array<i32>} : memref<2048xf32, #tpu.memory_space<vmem>>, vector<16xf32>,
        %mul3A_271 = arith.mulf %get3A_270, %get3A_270 : vector<16xf32>
        %add3A_272 = arith.addf %add3A_264, %mul3A_271 : vector<16xf32>
        %mul3A_273 = arith.constant 64 : i32
        %mul3A_274 = arith.muli %scan3A_248, %mul3A_273 : i32
        %add3A_275 = arith.constant 48 : i32
        %add3A_276 = arith.addi %mul3A_274, %add3A_275 : i32
        %get3A_277 = arith.index_cast %add3A_276 : i32 to index
        %get3A_278 = tpu.vector_load %arg19[%get3A_277] {strides = array<i32>} : memref<2048xf32, #tpu.memory_space<vmem>>, vector<16xf32>,
        %mul3A_279 = arith.mulf %get3A_278, %get3A_278 : vector<16xf32>
        %add3A_280 = arith.addf %add3A_272, %mul3A_279 : vector<16xf32>
        %get3A_281 = arith.index_cast %scan3A_248 : i32 to index
        %get3A_282 = arith.constant 0 : index
        %get3A_283 = tpu.vector_load %arg20[%get3A_281, %get3A_282] {strides = array<i32>} : memref<32x16xf32, #tpu.memory_space<vmem>>, vector<16xf32>,
        %gt3A = arith.constant 0.000000e+00 : f32
        %gt3A_284 = vector.broadcast %gt3A : f32 to vector<16xf32>
        %gt3A_285 = arith.cmpf ogt, %get3A_283, %gt3A_284 : vector<16xf32>
        %select_n3A_286 = arith.select %gt3A_285, %add3A_280, %broadcast_in_dim3A_36 : vector<16xi1>, vector<16xf32>
        %add3A_287 = arith.addf %scan3A_249, %select_n3A_286 : vector<16xf32>
        scf.yield %add3A_287 : vector<16xf32>
      }
      %scan3A_205 = arith.constant 32 : i32
      %swap3A_206 = arith.constant 0 : index
      %swap3A_207 = tpu.vector_load %arg21[%swap3A_206] {strides = array<i32>} : memref<16xf32, #tpu.memory_space<vmem>>, vector<16xf32>,
      tpu.vector_store %arg21[%swap3A_206], %scan3A_204 {strides = array<i32>} : memref<16xf32, #tpu.memory_space<vmem>>, vector<16xf32>,
      %xor3A = arith.constant 8 : i32
      %xor3A_208 = vector.broadcast %xor3A : i32 to vector<16xi32>
      %xor3A_209 = arith.xori %iota3A, %xor3A_208 : vector<16xi32>
      %gather3A = tpu.vector_load_idx %arg21[%xor3A_209] : memref<16xf32, #tpu.memory_space<vmem>>[vector<16xi32>], vector<16xf32>,
      %add3A_210 = arith.addf %scan3A_204, %gather3A : vector<16xf32>
      %swap3A_211 = arith.constant 0 : index
      %swap3A_212 = tpu.vector_load %arg21[%swap3A_211] {strides = array<i32>} : memref<16xf32, #tpu.memory_space<vmem>>, vector<16xf32>,
      tpu.vector_store %arg21[%swap3A_211], %add3A_210 {strides = array<i32>} : memref<16xf32, #tpu.memory_space<vmem>>, vector<16xf32>,
      %xor3A_213 = arith.constant 4 : i32
      %xor3A_214 = vector.broadcast %xor3A_213 : i32 to vector<16xi32>
      %xor3A_215 = arith.xori %iota3A, %xor3A_214 : vector<16xi32>
      %gather3A_216 = tpu.vector_load_idx %arg21[%xor3A_215] : memref<16xf32, #tpu.memory_space<vmem>>[vector<16xi32>], vector<16xf32>,
      %add3A_217 = arith.addf %add3A_210, %gather3A_216 : vector<16xf32>
      %swap3A_218 = arith.constant 0 : index
      %swap3A_219 = tpu.vector_load %arg21[%swap3A_218] {strides = array<i32>} : memref<16xf32, #tpu.memory_space<vmem>>, vector<16xf32>,
      tpu.vector_store %arg21[%swap3A_218], %add3A_217 {strides = array<i32>} : memref<16xf32, #tpu.memory_space<vmem>>, vector<16xf32>,
      %xor3A_220 = arith.constant 2 : i32
      %xor3A_221 = vector.broadcast %xor3A_220 : i32 to vector<16xi32>
      %xor3A_222 = arith.xori %iota3A, %xor3A_221 : vector<16xi32>
      %gather3A_223 = tpu.vector_load_idx %arg21[%xor3A_222] : memref<16xf32, #tpu.memory_space<vmem>>[vector<16xi32>], vector<16xf32>,
      %add3A_224 = arith.addf %add3A_217, %gather3A_223 : vector<16xf32>
      %swap3A_225 = arith.constant 0 : index
      %swap3A_226 = tpu.vector_load %arg21[%swap3A_225] {strides = array<i32>} : memref<16xf32, #tpu.memory_space<vmem>>, vector<16xf32>,
      tpu.vector_store %arg21[%swap3A_225], %add3A_224 {strides = array<i32>} : memref<16xf32, #tpu.memory_space<vmem>>, vector<16xf32>,
      %xor3A_227 = arith.constant 1 : i32
      %xor3A_228 = vector.broadcast %xor3A_227 : i32 to vector<16xi32>
      %xor3A_229 = arith.xori %iota3A, %xor3A_228 : vector<16xi32>
      %gather3A_230 = tpu.vector_load_idx %arg21[%xor3A_229] : memref<16xf32, #tpu.memory_space<vmem>>[vector<16xi32>], vector<16xf32>,
      %add3A_231 = arith.addf %add3A_224, %gather3A_230 : vector<16xf32>
      %mul3A_232 = arith.constant 6.400000e+01 : f32
      %mul3A_233 = vector.broadcast %mul3A_232 : f32 to vector<16xf32>
      %mul3A_234 = arith.mulf %scan3A_179, %mul3A_233 : vector<16xf32>
      %max3A_235 = arith.constant 1.000000e+00 : f32
      %max3A_236 = vector.broadcast %max3A_235 : f32 to vector<16xf32>
      %max3A_237 = arith.maximumf %mul3A_234, %max3A_236 : vector<16xf32>
      %div3A_238 = arith.divf %add3A_231, %max3A_237 : vector<16xf32>
      %mul3A_239 = arith.constant 1.000000e+00 : f32
      %mul3A_240 = vector.broadcast %mul3A_239 : f32 to vector<16xf32>
      %mul3A_241 = arith.mulf %mul3A_240, %select_n3A_199 : vector<16xf32>
      %mul3A_242 = arith.constant 9.99999974E-5 : f32
      %mul3A_243 = vector.broadcast %mul3A_242 : f32 to vector<16xf32>
      %mul3A_244 = arith.mulf %mul3A_243, %div3A_238 : vector<16xf32>
      %add3A_245 = arith.addf %mul3A_241, %mul3A_244 : vector<16xf32>
      %swap3A_246 = arith.constant 0 : index
      %swap3A_247 = tpu.vector_load %arg21[%swap3A_246] {strides = array<i32>} : memref<16xf32, #tpu.memory_space<vmem>>, vector<16xf32>,
      tpu.vector_store %arg21[%swap3A_246], %add3A_245 {strides = array<i32>} : memref<16xf32, #tpu.memory_space<vmem>>, vector<16xf32>,
      "tpu.region"() ({
        %run_scoped3A = tpu.sem_alloc : memref<!tpu.dma_semaphore, #tpu.memory_space<semaphore_mem>>
        %dma_start3A_248 = arith.constant 0 : i32
        %dma_start3A_249 = tpu.memref_slice %arg5[%add3A_30, %dma_start3A_248] : memref<8x16xf32, #tpu.memory_space<hbm>> -> memref<1x16xf32, #tpu.memory_space<hbm>>
        %dma_start3A_250 = tpu.memref_squeeze %dma_start3A_249 : memref<1x16xf32, #tpu.memory_space<hbm>> -> memref<16xf32, #tpu.memory_space<hbm>>
        %dma_start3A_251 = arith.constant 0 : i32
        %dma_start3A_252 = tpu.memref_slice %arg5[%add3A_30, %dma_start3A_251] : memref<8x16xf32, #tpu.memory_space<hbm>> -> memref<1x16xf32, #tpu.memory_space<hbm>>
        %dma_start3A_253 = tpu.memref_squeeze %dma_start3A_252 : memref<1x16xf32, #tpu.memory_space<hbm>> -> memref<16xf32, #tpu.memory_space<hbm>>
        tpu.enqueue_dma source(%arg21 : memref<16xf32, #tpu.memory_space<vmem>>) target(%dma_start3A_253 : memref<16xf32, #tpu.memory_space<hbm>>) target_semaphore(%run_scoped3A : memref<!tpu.dma_semaphore, #tpu.memory_space<semaphore_mem>>)
        %dma_wait3A_254 = arith.constant 0 : i32
        %dma_wait3A_255 = tpu.memref_slice %arg5[%add3A_30, %dma_wait3A_254] : memref<8x16xf32, #tpu.memory_space<hbm>> -> memref<1x16xf32, #tpu.memory_space<hbm>>
        %dma_wait3A_256 = tpu.memref_squeeze %dma_wait3A_255 : memref<1x16xf32, #tpu.memory_space<hbm>> -> memref<16xf32, #tpu.memory_space<hbm>>
        %dma_wait3A_257 = arith.constant 0 : i32
        %dma_wait3A_258 = tpu.memref_slice %arg5[%add3A_30, %dma_wait3A_257] : memref<8x16xf32, #tpu.memory_space<hbm>> -> memref<1x16xf32, #tpu.memory_space<hbm>>
        %dma_wait3A_259 = tpu.memref_squeeze %dma_wait3A_258 : memref<1x16xf32, #tpu.memory_space<hbm>> -> memref<16xf32, #tpu.memory_space<hbm>>
        tpu.wait_dma2 semaphore(%run_scoped3A : memref<!tpu.dma_semaphore, #tpu.memory_space<semaphore_mem>>) src(%arg21 : memref<16xf32, #tpu.memory_space<vmem>>) dst(%dma_wait3A_259 : memref<16xf32, #tpu.memory_space<hbm>>)
        tpu.yield
      }) : () -> ()
    } else {
    }
    %add3A_120 = arith.constant 0 : i32
    %add3A_121 = arith.addi %mul3A_35, %add3A_120 : i32
    %mul3A_122 = arith.constant 64 : i32
    %mul3A_123 = arith.muli %add3A_121, %mul3A_122 : i32
    %dma_start3A_124 = tpu.memref_slice %arg3[%add3A_30, %mul3A_123] : memref<8x4194304xf32, #tpu.memory_space<hbm>> -> memref<1x32768xf32, #tpu.memory_space<hbm>>
    %dma_start3A_125 = tpu.memref_squeeze %dma_start3A_124 : memref<1x32768xf32, #tpu.memory_space<hbm>> -> memref<32768xf32, #tpu.memory_space<hbm>>
    %dma_start3A_126 = tpu.memref_slice %arg3[%add3A_30, %mul3A_123] : memref<8x4194304xf32, #tpu.memory_space<hbm>> -> memref<1x32768xf32, #tpu.memory_space<hbm>>
    %dma_start3A_127 = tpu.memref_squeeze %dma_start3A_126 : memref<1x32768xf32, #tpu.memory_space<hbm>> -> memref<32768xf32, #tpu.memory_space<hbm>>
    tpu.enqueue_dma source(%dma_start3A_127 : memref<32768xf32, #tpu.memory_space<hbm>>) target(%arg14 : memref<32768xf32, #tpu.memory_space<vmem>>) target_semaphore(%arg24 : memref<!tpu.dma_semaphore, #tpu.memory_space<semaphore_mem>>)
    %dma_start3A_128 = tpu.memref_slice %arg4[%add3A_30, %add3A_121] : memref<8x65536xi32, #tpu.memory_space<hbm>> -> memref<1x512xi32, #tpu.memory_space<hbm>>
    %dma_start3A_129 = tpu.memref_squeeze %dma_start3A_128 : memref<1x512xi32, #tpu.memory_space<hbm>> -> memref<512xi32, #tpu.memory_space<hbm>>
    %dma_start3A_130 = tpu.memref_slice %arg4[%add3A_30, %add3A_121] : memref<8x65536xi32, #tpu.memory_space<hbm>> -> memref<1x512xi32, #tpu.memory_space<hbm>>
    %dma_start3A_131 = tpu.memref_squeeze %dma_start3A_130 : memref<1x512xi32, #tpu.memory_space<hbm>> -> memref<512xi32, #tpu.memory_space<hbm>>
    tpu.enqueue_dma source(%dma_start3A_131 : memref<512xi32, #tpu.memory_space<hbm>>) target(%arg16 : memref<512xi32, #tpu.memory_space<vmem>>) target_semaphore(%arg26 : memref<!tpu.dma_semaphore, #tpu.memory_space<semaphore_mem>>)
    %add3A_132 = arith.constant 512 : i32
    %add3A_133 = arith.addi %mul3A_35, %add3A_132 : i32
    %mul3A_134 = arith.constant 64 : i32
    %mul3A_135 = arith.muli %add3A_133, %mul3A_134 : i32
    %dma_start3A_136 = tpu.memref_slice %arg3[%add3A_30, %mul3A_135] : memref<8x4194304xf32, #tpu.memory_space<hbm>> -> memref<1x32768xf32, #tpu.memory_space<hbm>>
    %dma_start3A_137 = tpu.memref_squeeze %dma_start3A_136 : memref<1x32768xf32, #tpu.memory_space<hbm>> -> memref<32768xf32, #tpu.memory_space<hbm>>
    %dma_start3A_138 = tpu.memref_slice %arg3[%add3A_30, %mul3A_135] : memref<8x4194304xf32, #tpu.memory_space<hbm>> -> memref<1x32768xf32, #tpu.memory_space<hbm>>
    %dma_start3A_139 = tpu.memref_squeeze %dma_start3A_138 : memref<1x32768xf32, #tpu.memory_space<hbm>> -> memref<32768xf32, #tpu.memory_space<hbm>>
    tpu.enqueue_dma source(%dma_start3A_139 : memref<32768xf32, #tpu.memory_space<hbm>>) target(%arg15 : memref<32768xf32, #tpu.memory_space<vmem>>) target_semaphore(%arg25 : memref<!tpu.dma_semaphore, #tpu.memory_space<semaphore_mem>>)
    %dma_start3A_140 = tpu.memref_slice %arg4[%add3A_30, %add3A_133] : memref<8x65536xi32, #tpu.memory_space<hbm>> -> memref<1x512xi32, #tpu.memory_space<hbm>>
    %dma_start3A_141 = tpu.memref_squeeze %dma_start3A_140 : memref<1x512xi32, #tpu.memory_space<hbm>> -> memref<512xi32, #tpu.memory_space<hbm>>
    %dma_start3A_142 = tpu.memref_slice %arg4[%add3A_30, %add3A_133] : memref<8x65536xi32, #tpu.memory_space<hbm>> -> memref<1x512xi32, #tpu.memory_space<hbm>>
    %dma_start3A_143 = tpu.memref_squeeze %dma_start3A_142 : memref<1x512xi32, #tpu.memory_space<hbm>> -> memref<512xi32, #tpu.memory_space<hbm>>
    tpu.enqueue_dma source(%dma_start3A_143 : memref<512xi32, #tpu.memory_space<hbm>>) target(%arg17 : memref<512xi32, #tpu.memory_space<vmem>>) target_semaphore(%arg27 : memref<!tpu.dma_semaphore, #tpu.memory_space<semaphore_mem>>)
    %scan3A_144 = arith.constant 0 : i32
    %scan3A_145 = arith.constant 16 : i32
    %scan3A_146 = arith.addi %scan3A_144, %scan3A_145 : i32
    %scan3A_147 = arith.constant 1 : i32
    %scan3A_148 = scf.for %scan3A_175 = %scan3A_144 to %scan3A_146 step %scan3A_147 iter_args(%scan3A_176 = %broadcast_in_dim3A_36) -> (vector<16xf32>)  : i32 {
      %mul3A_177 = arith.constant 2 : i32
      %mul3A_178 = arith.muli %mul3A_177, %scan3A_175 : i32
      %dma_wait3A_179 = arith.constant 0 : i32
      %dma_wait3A_180 = tpu.memref_slice %arg3[%add3A_30, %dma_wait3A_179] : memref<8x4194304xf32, #tpu.memory_space<hbm>> -> memref<1x32768xf32, #tpu.memory_space<hbm>>
      %dma_wait3A_181 = tpu.memref_squeeze %dma_wait3A_180 : memref<1x32768xf32, #tpu.memory_space<hbm>> -> memref<32768xf32, #tpu.memory_space<hbm>>
      %dma_wait3A_182 = arith.constant 0 : i32
      %dma_wait3A_183 = tpu.memref_slice %arg3[%add3A_30, %dma_wait3A_182] : memref<8x4194304xf32, #tpu.memory_space<hbm>> -> memref<1x32768xf32, #tpu.memory_space<hbm>>
      %dma_wait3A_184 = tpu.memref_squeeze %dma_wait3A_183 : memref<1x32768xf32, #tpu.memory_space<hbm>> -> memref<32768xf32, #tpu.memory_space<hbm>>
      tpu.wait_dma2 semaphore(%arg24 : memref<!tpu.dma_semaphore, #tpu.memory_space<semaphore_mem>>) src(%dma_wait3A_184 : memref<32768xf32, #tpu.memory_space<hbm>>) dst(%arg14 : memref<32768xf32, #tpu.memory_space<vmem>>)
      %dma_wait3A_185 = arith.constant 0 : i32
      %dma_wait3A_186 = tpu.memref_slice %arg4[%add3A_30, %dma_wait3A_185] : memref<8x65536xi32, #tpu.memory_space<hbm>> -> memref<1x512xi32, #tpu.memory_space<hbm>>
      %dma_wait3A_187 = tpu.memref_squeeze %dma_wait3A_186 : memref<1x512xi32, #tpu.memory_space<hbm>> -> memref<512xi32, #tpu.memory_space<hbm>>
      %dma_wait3A_188 = arith.constant 0 : i32
      %dma_wait3A_189 = tpu.memref_slice %arg4[%add3A_30, %dma_wait3A_188] : memref<8x65536xi32, #tpu.memory_space<hbm>> -> memref<1x512xi32, #tpu.memory_space<hbm>>
      %dma_wait3A_190 = tpu.memref_squeeze %dma_wait3A_189 : memref<1x512xi32, #tpu.memory_space<hbm>> -> memref<512xi32, #tpu.memory_space<hbm>>
      tpu.wait_dma2 semaphore(%arg26 : memref<!tpu.dma_semaphore, #tpu.memory_space<semaphore_mem>>) src(%dma_wait3A_190 : memref<512xi32, #tpu.memory_space<hbm>>) dst(%arg16 : memref<512xi32, #tpu.memory_space<vmem>>)
      %scan3A_191 = arith.constant 0 : i32
      %scan3A_192 = arith.constant 32 : i32
      %scan3A_193 = arith.addi %scan3A_191, %scan3A_192 : i32
      %scan3A_194 = arith.constant 1 : i32
      %scan3A_195 = scf.for %scan3A_252 = %scan3A_191 to %scan3A_193 step %scan3A_194 iter_args(%scan3A_253 = %scan3A_176) -> (vector<16xf32>)  : i32 {
        %mul3A_254 = arith.constant 16 : i32
        %mul3A_255 = arith.muli %scan3A_252, %mul3A_254 : i32
        %get3A = arith.index_cast %mul3A_255 : i32 to index
        %get3A_256 = tpu.vector_load %arg16[%get3A] {strides = array<i32>} : memref<512xi32, #tpu.memory_space<vmem>>, vector<16xi32>,
        %mul3A_257 = arith.constant 16 : i32
        %mul3A_258 = arith.muli %scan3A_252, %mul3A_257 : i32
        %add3A_259 = vector.broadcast %mul3A_258 : i32 to vector<16xi32>
        %add3A_260 = arith.addi %iota3A, %add3A_259 : vector<16xi32>
        %mul3A_261 = arith.constant 64 : i32
        %mul3A_262 = vector.broadcast %mul3A_261 : i32 to vector<16xi32>
        %mul3A_263 = arith.muli %add3A_260, %mul3A_262 : vector<16xi32>
        %mul3A_264 = arith.constant 64 : i32
        %mul3A_265 = vector.broadcast %mul3A_264 : i32 to vector<16xi32>
        %mul3A_266 = arith.muli %get3A_256, %mul3A_265 : vector<16xi32>
        %scan3A_267 = arith.constant 0 : i32
        %scan3A_268 = arith.constant 16 : i32
        %scan3A_269 = arith.addi %scan3A_267, %scan3A_268 : i32
        %scan3A_270 = arith.constant 1 : i32
        %scan3A_271:3 = scf.for %scan3A_275 = %scan3A_267 to %scan3A_269 step %scan3A_270 iter_args(%scan3A_276 = %broadcast_in_dim3A_36, %scan3A_277 = %mul3A_263, %scan3A_278 = %mul3A_266) -> (vector<16xf32>, vector<16xi32>, vector<16xi32>)  : i32 {
          %gather3A = tpu.vector_load_idx %arg14[%scan3A_277] : memref<32768xf32, #tpu.memory_space<vmem>>[vector<16xi32>], vector<16xf32>,
          %gather3A_279 = tpu.vector_load_idx %arg19[%scan3A_278] : memref<2048xf32, #tpu.memory_space<vmem>>[vector<16xi32>], vector<16xf32>,
          %sub3A_280 = arith.subf %gather3A, %gather3A_279 : vector<16xf32>
          %abs3A = math.absf %sub3A_280 : vector<16xf32>
          %add3A_281 = arith.addf %scan3A_276, %abs3A : vector<16xf32>
          %add3A_282 = arith.constant 1 : i32
          %add3A_283 = vector.broadcast %add3A_282 : i32 to vector<16xi32>
          %add3A_284 = arith.addi %scan3A_277, %add3A_283 : vector<16xi32>
          %add3A_285 = arith.constant 1 : i32
          %add3A_286 = vector.broadcast %add3A_285 : i32 to vector<16xi32>
          %add3A_287 = arith.addi %scan3A_278, %add3A_286 : vector<16xi32>
          %gather3A_288 = tpu.vector_load_idx %arg14[%add3A_284] : memref<32768xf32, #tpu.memory_space<vmem>>[vector<16xi32>], vector<16xf32>,
          %gather3A_289 = tpu.vector_load_idx %arg19[%add3A_287] : memref<2048xf32, #tpu.memory_space<vmem>>[vector<16xi32>], vector<16xf32>,
          %sub3A_290 = arith.subf %gather3A_288, %gather3A_289 : vector<16xf32>
          %abs3A_291 = math.absf %sub3A_290 : vector<16xf32>
          %add3A_292 = arith.addf %add3A_281, %abs3A_291 : vector<16xf32>
          %add3A_293 = arith.constant 1 : i32
          %add3A_294 = vector.broadcast %add3A_293 : i32 to vector<16xi32>
          %add3A_295 = arith.addi %add3A_284, %add3A_294 : vector<16xi32>
          %add3A_296 = arith.constant 1 : i32
          %add3A_297 = vector.broadcast %add3A_296 : i32 to vector<16xi32>
          %add3A_298 = arith.addi %add3A_287, %add3A_297 : vector<16xi32>
          %gather3A_299 = tpu.vector_load_idx %arg14[%add3A_295] : memref<32768xf32, #tpu.memory_space<vmem>>[vector<16xi32>], vector<16xf32>,
          %gather3A_300 = tpu.vector_load_idx %arg19[%add3A_298] : memref<2048xf32, #tpu.memory_space<vmem>>[vector<16xi32>], vector<16xf32>,
          %sub3A_301 = arith.subf %gather3A_299, %gather3A_300 : vector<16xf32>
          %abs3A_302 = math.absf %sub3A_301 : vector<16xf32>
          %add3A_303 = arith.addf %add3A_292, %abs3A_302 : vector<16xf32>
          %add3A_304 = arith.constant 1 : i32
          %add3A_305 = vector.broadcast %add3A_304 : i32 to vector<16xi32>
          %add3A_306 = arith.addi %add3A_295, %add3A_305 : vector<16xi32>
          %add3A_307 = arith.constant 1 : i32
          %add3A_308 = vector.broadcast %add3A_307 : i32 to vector<16xi32>
          %add3A_309 = arith.addi %add3A_298, %add3A_308 : vector<16xi32>
          %gather3A_310 = tpu.vector_load_idx %arg14[%add3A_306] : memref<32768xf32, #tpu.memory_space<vmem>>[vector<16xi32>], vector<16xf32>,
          %gather3A_311 = tpu.vector_load_idx %arg19[%add3A_309] : memref<2048xf32, #tpu.memory_space<vmem>>[vector<16xi32>], vector<16xf32>,
          %sub3A_312 = arith.subf %gather3A_310, %gather3A_311 : vector<16xf32>
          %abs3A_313 = math.absf %sub3A_312 : vector<16xf32>
          %add3A_314 = arith.addf %add3A_303, %abs3A_313 : vector<16xf32>
          %add3A_315 = arith.constant 1 : i32
          %add3A_316 = vector.broadcast %add3A_315 : i32 to vector<16xi32>
          %add3A_317 = arith.addi %add3A_306, %add3A_316 : vector<16xi32>
          %add3A_318 = arith.constant 1 : i32
          %add3A_319 = vector.broadcast %add3A_318 : i32 to vector<16xi32>
          %add3A_320 = arith.addi %add3A_309, %add3A_319 : vector<16xi32>
          scf.yield %add3A_314, %add3A_317, %add3A_320 : vector<16xf32>, vector<16xi32>, vector<16xi32>
        }
        %scan3A_272 = arith.constant 16 : i32
        %mul3A_273 = arith.mulf %scan3A_271#0, %scan3A_271#0 : vector<16xf32>
        %add3A_274 = arith.addf %scan3A_253, %mul3A_273 : vector<16xf32>
        scf.yield %add3A_274 : vector<16xf32>
      }
      %scan3A_196 = arith.constant 32 : i32
      %add3A_197 = arith.constant 2 : i32
      %add3A_198 = arith.addi %mul3A_178, %add3A_197 : i32
      %min3A = arith.constant 31 : i32
      %min3A_199 = arith.minsi %add3A_198, %min3A : i32
      %mul3A_200 = arith.constant 512 : i32
      %mul3A_201 = arith.muli %min3A_199, %mul3A_200 : i32
      %add3A_202 = arith.addi %mul3A_35, %mul3A_201 : i32
      %mul3A_203 = arith.constant 64 : i32
      %mul3A_204 = arith.muli %add3A_202, %mul3A_203 : i32
      %dma_start3A_205 = tpu.memref_slice %arg3[%add3A_30, %mul3A_204] : memref<8x4194304xf32, #tpu.memory_space<hbm>> -> memref<1x32768xf32, #tpu.memory_space<hbm>>
      %dma_start3A_206 = tpu.memref_squeeze %dma_start3A_205 : memref<1x32768xf32, #tpu.memory_space<hbm>> -> memref<32768xf32, #tpu.memory_space<hbm>>
      %dma_start3A_207 = tpu.memref_slice %arg3[%add3A_30, %mul3A_204] : memref<8x4194304xf32, #tpu.memory_space<hbm>> -> memref<1x32768xf32, #tpu.memory_space<hbm>>
      %dma_start3A_208 = tpu.memref_squeeze %dma_start3A_207 : memref<1x32768xf32, #tpu.memory_space<hbm>> -> memref<32768xf32, #tpu.memory_space<hbm>>
      tpu.enqueue_dma source(%dma_start3A_208 : memref<32768xf32, #tpu.memory_space<hbm>>) target(%arg14 : memref<32768xf32, #tpu.memory_space<vmem>>) target_semaphore(%arg24 : memref<!tpu.dma_semaphore, #tpu.memory_space<semaphore_mem>>)
      %dma_start3A_209 = tpu.memref_slice %arg4[%add3A_30, %add3A_202] : memref<8x65536xi32, #tpu.memory_space<hbm>> -> memref<1x512xi32, #tpu.memory_space<hbm>>
      %dma_start3A_210 = tpu.memref_squeeze %dma_start3A_209 : memref<1x512xi32, #tpu.memory_space<hbm>> -> memref<512xi32, #tpu.memory_space<hbm>>
      %dma_start3A_211 = tpu.memref_slice %arg4[%add3A_30, %add3A_202] : memref<8x65536xi32, #tpu.memory_space<hbm>> -> memref<1x512xi32, #tpu.memory_space<hbm>>
      %dma_start3A_212 = tpu.memref_squeeze %dma_start3A_211 : memref<1x512xi32, #tpu.memory_space<hbm>> -> memref<512xi32, #tpu.memory_space<hbm>>
      tpu.enqueue_dma source(%dma_start3A_212 : memref<512xi32, #tpu.memory_space<hbm>>) target(%arg16 : memref<512xi32, #tpu.memory_space<vmem>>) target_semaphore(%arg26 : memref<!tpu.dma_semaphore, #tpu.memory_space<semaphore_mem>>)
      %mul3A_213 = arith.constant 2 : i32
      %mul3A_214 = arith.muli %mul3A_213, %scan3A_175 : i32
      %add3A_215 = arith.constant 1 : i32
      %add3A_216 = arith.addi %mul3A_214, %add3A_215 : i32
      %dma_wait3A_217 = arith.constant 0 : i32
      %dma_wait3A_218 = tpu.memref_slice %arg3[%add3A_30, %dma_wait3A_217] : memref<8x4194304xf32, #tpu.memory_space<hbm>> -> memref<1x32768xf32, #tpu.memory_space<hbm>>
      %dma_wait3A_219 = tpu.memref_squeeze %dma_wait3A_218 : memref<1x32768xf32, #tpu.memory_space<hbm>> -> memref<32768xf32, #tpu.memory_space<hbm>>
      %dma_wait3A_220 = arith.constant 0 : i32
      %dma_wait3A_221 = tpu.memref_slice %arg3[%add3A_30, %dma_wait3A_220] : memref<8x4194304xf32, #tpu.memory_space<hbm>> -> memref<1x32768xf32, #tpu.memory_space<hbm>>
      %dma_wait3A_222 = tpu.memref_squeeze %dma_wait3A_221 : memref<1x32768xf32, #tpu.memory_space<hbm>> -> memref<32768xf32, #tpu.memory_space<hbm>>
      tpu.wait_dma2 semaphore(%arg25 : memref<!tpu.dma_semaphore, #tpu.memory_space<semaphore_mem>>) src(%dma_wait3A_222 : memref<32768xf32, #tpu.memory_space<hbm>>) dst(%arg15 : memref<32768xf32, #tpu.memory_space<vmem>>)
      %dma_wait3A_223 = arith.constant 0 : i32
      %dma_wait3A_224 = tpu.memref_slice %arg4[%add3A_30, %dma_wait3A_223] : memref<8x65536xi32, #tpu.memory_space<hbm>> -> memref<1x512xi32, #tpu.memory_space<hbm>>
      %dma_wait3A_225 = tpu.memref_squeeze %dma_wait3A_224 : memref<1x512xi32, #tpu.memory_space<hbm>> -> memref<512xi32, #tpu.memory_space<hbm>>
      %dma_wait3A_226 = arith.constant 0 : i32
      %dma_wait3A_227 = tpu.memref_slice %arg4[%add3A_30, %dma_wait3A_226] : memref<8x65536xi32, #tpu.memory_space<hbm>> -> memref<1x512xi32, #tpu.memory_space<hbm>>
      %dma_wait3A_228 = tpu.memref_squeeze %dma_wait3A_227 : memref<1x512xi32, #tpu.memory_space<hbm>> -> memref<512xi32, #tpu.memory_space<hbm>>
      tpu.wait_dma2 semaphore(%arg27 : memref<!tpu.dma_semaphore, #tpu.memory_space<semaphore_mem>>) src(%dma_wait3A_228 : memref<512xi32, #tpu.memory_space<hbm>>) dst(%arg17 : memref<512xi32, #tpu.memory_space<vmem>>)
      %scan3A_229 = arith.constant 0 : i32
      %scan3A_230 = arith.constant 32 : i32
      %scan3A_231 = arith.addi %scan3A_229, %scan3A_230 : i32
      %scan3A_232 = arith.constant 1 : i32
      %scan3A_233 = scf.for %scan3A_252 = %scan3A_229 to %scan3A_231 step %scan3A_232 iter_args(%scan3A_253 = %scan3A_195) -> (vector<16xf32>)  : i32 {
        %mul3A_254 = arith.constant 16 : i32
        %mul3A_255 = arith.muli %scan3A_252, %mul3A_254 : i32
        %get3A = arith.index_cast %mul3A_255 : i32 to index
        %get3A_256 = tpu.vector_load %arg17[%get3A] {strides = array<i32>} : memref<512xi32, #tpu.memory_space<vmem>>, vector<16xi32>,
        %mul3A_257 = arith.constant 16 : i32
        %mul3A_258 = arith.muli %scan3A_252, %mul3A_257 : i32
        %add3A_259 = vector.broadcast %mul3A_258 : i32 to vector<16xi32>
        %add3A_260 = arith.addi %iota3A, %add3A_259 : vector<16xi32>
        %mul3A_261 = arith.constant 64 : i32
        %mul3A_262 = vector.broadcast %mul3A_261 : i32 to vector<16xi32>
        %mul3A_263 = arith.muli %add3A_260, %mul3A_262 : vector<16xi32>
        %mul3A_264 = arith.constant 64 : i32
        %mul3A_265 = vector.broadcast %mul3A_264 : i32 to vector<16xi32>
        %mul3A_266 = arith.muli %get3A_256, %mul3A_265 : vector<16xi32>
        %scan3A_267 = arith.constant 0 : i32
        %scan3A_268 = arith.constant 16 : i32
        %scan3A_269 = arith.addi %scan3A_267, %scan3A_268 : i32
        %scan3A_270 = arith.constant 1 : i32
        %scan3A_271:3 = scf.for %scan3A_275 = %scan3A_267 to %scan3A_269 step %scan3A_270 iter_args(%scan3A_276 = %broadcast_in_dim3A_36, %scan3A_277 = %mul3A_263, %scan3A_278 = %mul3A_266) -> (vector<16xf32>, vector<16xi32>, vector<16xi32>)  : i32 {
          %gather3A = tpu.vector_load_idx %arg15[%scan3A_277] : memref<32768xf32, #tpu.memory_space<vmem>>[vector<16xi32>], vector<16xf32>,
          %gather3A_279 = tpu.vector_load_idx %arg19[%scan3A_278] : memref<2048xf32, #tpu.memory_space<vmem>>[vector<16xi32>], vector<16xf32>,
          %sub3A_280 = arith.subf %gather3A, %gather3A_279 : vector<16xf32>
          %abs3A = math.absf %sub3A_280 : vector<16xf32>
          %add3A_281 = arith.addf %scan3A_276, %abs3A : vector<16xf32>
          %add3A_282 = arith.constant 1 : i32
          %add3A_283 = vector.broadcast %add3A_282 : i32 to vector<16xi32>
          %add3A_284 = arith.addi %scan3A_277, %add3A_283 : vector<16xi32>
          %add3A_285 = arith.constant 1 : i32
          %add3A_286 = vector.broadcast %add3A_285 : i32 to vector<16xi32>
          %add3A_287 = arith.addi %scan3A_278, %add3A_286 : vector<16xi32>
          %gather3A_288 = tpu.vector_load_idx %arg15[%add3A_284] : memref<32768xf32, #tpu.memory_space<vmem>>[vector<16xi32>], vector<16xf32>,
          %gather3A_289 = tpu.vector_load_idx %arg19[%add3A_287] : memref<2048xf32, #tpu.memory_space<vmem>>[vector<16xi32>], vector<16xf32>,
          %sub3A_290 = arith.subf %gather3A_288, %gather3A_289 : vector<16xf32>
          %abs3A_291 = math.absf %sub3A_290 : vector<16xf32>
          %add3A_292 = arith.addf %add3A_281, %abs3A_291 : vector<16xf32>
          %add3A_293 = arith.constant 1 : i32
          %add3A_294 = vector.broadcast %add3A_293 : i32 to vector<16xi32>
          %add3A_295 = arith.addi %add3A_284, %add3A_294 : vector<16xi32>
          %add3A_296 = arith.constant 1 : i32
          %add3A_297 = vector.broadcast %add3A_296 : i32 to vector<16xi32>
          %add3A_298 = arith.addi %add3A_287, %add3A_297 : vector<16xi32>
          %gather3A_299 = tpu.vector_load_idx %arg15[%add3A_295] : memref<32768xf32, #tpu.memory_space<vmem>>[vector<16xi32>], vector<16xf32>,
          %gather3A_300 = tpu.vector_load_idx %arg19[%add3A_298] : memref<2048xf32, #tpu.memory_space<vmem>>[vector<16xi32>], vector<16xf32>,
          %sub3A_301 = arith.subf %gather3A_299, %gather3A_300 : vector<16xf32>
          %abs3A_302 = math.absf %sub3A_301 : vector<16xf32>
          %add3A_303 = arith.addf %add3A_292, %abs3A_302 : vector<16xf32>
          %add3A_304 = arith.constant 1 : i32
          %add3A_305 = vector.broadcast %add3A_304 : i32 to vector<16xi32>
          %add3A_306 = arith.addi %add3A_295, %add3A_305 : vector<16xi32>
          %add3A_307 = arith.constant 1 : i32
          %add3A_308 = vector.broadcast %add3A_307 : i32 to vector<16xi32>
          %add3A_309 = arith.addi %add3A_298, %add3A_308 : vector<16xi32>
          %gather3A_310 = tpu.vector_load_idx %arg15[%add3A_306] : memref<32768xf32, #tpu.memory_space<vmem>>[vector<16xi32>], vector<16xf32>,
          %gather3A_311 = tpu.vector_load_idx %arg19[%add3A_309] : memref<2048xf32, #tpu.memory_space<vmem>>[vector<16xi32>], vector<16xf32>,
          %sub3A_312 = arith.subf %gather3A_310, %gather3A_311 : vector<16xf32>
          %abs3A_313 = math.absf %sub3A_312 : vector<16xf32>
          %add3A_314 = arith.addf %add3A_303, %abs3A_313 : vector<16xf32>
          %add3A_315 = arith.constant 1 : i32
          %add3A_316 = vector.broadcast %add3A_315 : i32 to vector<16xi32>
          %add3A_317 = arith.addi %add3A_306, %add3A_316 : vector<16xi32>
          %add3A_318 = arith.constant 1 : i32
          %add3A_319 = vector.broadcast %add3A_318 : i32 to vector<16xi32>
          %add3A_320 = arith.addi %add3A_309, %add3A_319 : vector<16xi32>
          scf.yield %add3A_314, %add3A_317, %add3A_320 : vector<16xf32>, vector<16xi32>, vector<16xi32>
        }
        %scan3A_272 = arith.constant 16 : i32
        %mul3A_273 = arith.mulf %scan3A_271#0, %scan3A_271#0 : vector<16xf32>
        %add3A_274 = arith.addf %scan3A_253, %mul3A_273 : vector<16xf32>
        scf.yield %add3A_274 : vector<16xf32>
      }
      %scan3A_234 = arith.constant 32 : i32
      %add3A_235 = arith.constant 2 : i32
      %add3A_236 = arith.addi %add3A_216, %add3A_235 : i32
      %min3A_237 = arith.constant 31 : i32
      %min3A_238 = arith.minsi %add3A_236, %min3A_237 : i32
      %mul3A_239 = arith.constant 512 : i32
      %mul3A_240 = arith.muli %min3A_238, %mul3A_239 : i32
      %add3A_241 = arith.addi %mul3A_35, %mul3A_240 : i32
      %mul3A_242 = arith.constant 64 : i32
      %mul3A_243 = arith.muli %add3A_241, %mul3A_242 : i32
      %dma_start3A_244 = tpu.memref_slice %arg3[%add3A_30, %mul3A_243] : memref<8x4194304xf32, #tpu.memory_space<hbm>> -> memref<1x32768xf32, #tpu.memory_space<hbm>>
      %dma_start3A_245 = tpu.memref_squeeze %dma_start3A_244 : memref<1x32768xf32, #tpu.memory_space<hbm>> -> memref<32768xf32, #tpu.memory_space<hbm>>
      %dma_start3A_246 = tpu.memref_slice %arg3[%add3A_30, %mul3A_243] : memref<8x4194304xf32, #tpu.memory_space<hbm>> -> memref<1x32768xf32, #tpu.memory_space<hbm>>
      %dma_start3A_247 = tpu.memref_squeeze %dma_start3A_246 : memref<1x32768xf32, #tpu.memory_space<hbm>> -> memref<32768xf32, #tpu.memory_space<hbm>>
      tpu.enqueue_dma source(%dma_start3A_247 : memref<32768xf32, #tpu.memory_space<hbm>>) target(%arg15 : memref<32768xf32, #tpu.memory_space<vmem>>) target_semaphore(%arg25 : memref<!tpu.dma_semaphore, #tpu.memory_space<semaphore_mem>>)
      %dma_start3A_248 = tpu.memref_slice %arg4[%add3A_30, %add3A_241] : memref<8x65536xi32, #tpu.memory_space<hbm>> -> memref<1x512xi32, #tpu.memory_space<hbm>>
      %dma_start3A_249 = tpu.memref_squeeze %dma_start3A_248 : memref<1x512xi32, #tpu.memory_space<hbm>> -> memref<512xi32, #tpu.memory_space<hbm>>
      %dma_start3A_250 = tpu.memref_slice %arg4[%add3A_30, %add3A_241] : memref<8x65536xi32, #tpu.memory_space<hbm>> -> memref<1x512xi32, #tpu.memory_space<hbm>>
      %dma_start3A_251 = tpu.memref_squeeze %dma_start3A_250 : memref<1x512xi32, #tpu.memory_space<hbm>> -> memref<512xi32, #tpu.memory_space<hbm>>
      tpu.enqueue_dma source(%dma_start3A_251 : memref<512xi32, #tpu.memory_space<hbm>>) target(%arg17 : memref<512xi32, #tpu.memory_space<vmem>>) target_semaphore(%arg27 : memref<!tpu.dma_semaphore, #tpu.memory_space<semaphore_mem>>)
      scf.yield %scan3A_233 : vector<16xf32>
    }
    %scan3A_149 = arith.constant 16 : i32
    %dma_wait3A_150 = arith.constant 0 : i32
    %dma_wait3A_151 = tpu.memref_slice %arg3[%add3A_30, %dma_wait3A_150] : memref<8x4194304xf32, #tpu.memory_space<hbm>> -> memref<1x32768xf32, #tpu.memory_space<hbm>>
    %dma_wait3A_152 = tpu.memref_squeeze %dma_wait3A_151 : memref<1x32768xf32, #tpu.memory_space<hbm>> -> memref<32768xf32, #tpu.memory_space<hbm>>
    %dma_wait3A_153 = arith.constant 0 : i32
    %dma_wait3A_154 = tpu.memref_slice %arg3[%add3A_30, %dma_wait3A_153] : memref<8x4194304xf32, #tpu.memory_space<hbm>> -> memref<1x32768xf32, #tpu.memory_space<hbm>>
    %dma_wait3A_155 = tpu.memref_squeeze %dma_wait3A_154 : memref<1x32768xf32, #tpu.memory_space<hbm>> -> memref<32768xf32, #tpu.memory_space<hbm>>
    tpu.wait_dma2 semaphore(%arg24 : memref<!tpu.dma_semaphore, #tpu.memory_space<semaphore_mem>>) src(%dma_wait3A_155 : memref<32768xf32, #tpu.memory_space<hbm>>) dst(%arg14 : memref<32768xf32, #tpu.memory_space<vmem>>)
    %dma_wait3A_156 = arith.constant 0 : i32
    %dma_wait3A_157 = tpu.memref_slice %arg4[%add3A_30, %dma_wait3A_156] : memref<8x65536xi32, #tpu.memory_space<hbm>> -> memref<1x512xi32, #tpu.memory_space<hbm>>
    %dma_wait3A_158 = tpu.memref_squeeze %dma_wait3A_157 : memref<1x512xi32, #tpu.memory_space<hbm>> -> memref<512xi32, #tpu.memory_space<hbm>>
    %dma_wait3A_159 = arith.constant 0 : i32
    %dma_wait3A_160 = tpu.memref_slice %arg4[%add3A_30, %dma_wait3A_159] : memref<8x65536xi32, #tpu.memory_space<hbm>> -> memref<1x512xi32, #tpu.memory_space<hbm>>
    %dma_wait3A_161 = tpu.memref_squeeze %dma_wait3A_160 : memref<1x512xi32, #tpu.memory_space<hbm>> -> memref<512xi32, #tpu.memory_space<hbm>>
    tpu.wait_dma2 semaphore(%arg26 : memref<!tpu.dma_semaphore, #tpu.memory_space<semaphore_mem>>) src(%dma_wait3A_161 : memref<512xi32, #tpu.memory_space<hbm>>) dst(%arg16 : memref<512xi32, #tpu.memory_space<vmem>>)
    %dma_wait3A_162 = arith.constant 0 : i32
    %dma_wait3A_163 = tpu.memref_slice %arg3[%add3A_30, %dma_wait3A_162] : memref<8x4194304xf32, #tpu.memory_space<hbm>> -> memref<1x32768xf32, #tpu.memory_space<hbm>>
    %dma_wait3A_164 = tpu.memref_squeeze %dma_wait3A_163 : memref<1x32768xf32, #tpu.memory_space<hbm>> -> memref<32768xf32, #tpu.memory_space<hbm>>
    %dma_wait3A_165 = arith.constant 0 : i32
    %dma_wait3A_166 = tpu.memref_slice %arg3[%add3A_30, %dma_wait3A_165] : memref<8x4194304xf32, #tpu.memory_space<hbm>> -> memref<1x32768xf32, #tpu.memory_space<hbm>>
    %dma_wait3A_167 = tpu.memref_squeeze %dma_wait3A_166 : memref<1x32768xf32, #tpu.memory_space<hbm>> -> memref<32768xf32, #tpu.memory_space<hbm>>
    tpu.wait_dma2 semaphore(%arg25 : memref<!tpu.dma_semaphore, #tpu.memory_space<semaphore_mem>>) src(%dma_wait3A_167 : memref<32768xf32, #tpu.memory_space<hbm>>) dst(%arg15 : memref<32768xf32, #tpu.memory_space<vmem>>)
    %dma_wait3A_168 = arith.constant 0 : i32
    %dma_wait3A_169 = tpu.memref_slice %arg4[%add3A_30, %dma_wait3A_168] : memref<8x65536xi32, #tpu.memory_space<hbm>> -> memref<1x512xi32, #tpu.memory_space<hbm>>
    %dma_wait3A_170 = tpu.memref_squeeze %dma_wait3A_169 : memref<1x512xi32, #tpu.memory_space<hbm>> -> memref<512xi32, #tpu.memory_space<hbm>>
    %dma_wait3A_171 = arith.constant 0 : i32
    %dma_wait3A_172 = tpu.memref_slice %arg4[%add3A_30, %dma_wait3A_171] : memref<8x65536xi32, #tpu.memory_space<hbm>> -> memref<1x512xi32, #tpu.memory_space<hbm>>
    %dma_wait3A_173 = tpu.memref_squeeze %dma_wait3A_172 : memref<1x512xi32, #tpu.memory_space<hbm>> -> memref<512xi32, #tpu.memory_space<hbm>>
    tpu.wait_dma2 semaphore(%arg27 : memref<!tpu.dma_semaphore, #tpu.memory_space<semaphore_mem>>) src(%dma_wait3A_173 : memref<512xi32, #tpu.memory_space<hbm>>) dst(%arg17 : memref<512xi32, #tpu.memory_space<vmem>>)
    %swap3A = arith.constant 0 : index
    %swap3A_174 = tpu.vector_load %arg21[%swap3A] {strides = array<i32>} : memref<16xf32, #tpu.memory_space<vmem>>, vector<16xf32>,
    tpu.vector_store %arg21[%swap3A], %scan3A_148 {strides = array<i32>} : memref<16xf32, #tpu.memory_space<vmem>>, vector<16xf32>,
    "tpu.region"() ({
      %run_scoped3A = tpu.sem_alloc : memref<!tpu.dma_semaphore, #tpu.memory_space<semaphore_mem>>
      %dma_start3A_175 = arith.constant 0 : i32
      %dma_start3A_176 = tpu.memref_slice %arg6[%add3A_33, %dma_start3A_175] : memref<32x16xf32, #tpu.memory_space<hbm>> -> memref<1x16xf32, #tpu.memory_space<hbm>>
      %dma_start3A_177 = tpu.memref_squeeze %dma_start3A_176 : memref<1x16xf32, #tpu.memory_space<hbm>> -> memref<16xf32, #tpu.memory_space<hbm>>
      %dma_start3A_178 = arith.constant 0 : i32
      %dma_start3A_179 = tpu.memref_slice %arg6[%add3A_33, %dma_start3A_178] : memref<32x16xf32, #tpu.memory_space<hbm>> -> memref<1x16xf32, #tpu.memory_space<hbm>>
      %dma_start3A_180 = tpu.memref_squeeze %dma_start3A_179 : memref<1x16xf32, #tpu.memory_space<hbm>> -> memref<16xf32, #tpu.memory_space<hbm>>
      tpu.enqueue_dma source(%arg21 : memref<16xf32, #tpu.memory_space<vmem>>) target(%dma_start3A_180 : memref<16xf32, #tpu.memory_space<hbm>>) target_semaphore(%run_scoped3A : memref<!tpu.dma_semaphore, #tpu.memory_space<semaphore_mem>>)
      %dma_wait3A_181 = arith.constant 0 : i32
      %dma_wait3A_182 = tpu.memref_slice %arg6[%add3A_33, %dma_wait3A_181] : memref<32x16xf32, #tpu.memory_space<hbm>> -> memref<1x16xf32, #tpu.memory_space<hbm>>
      %dma_wait3A_183 = tpu.memref_squeeze %dma_wait3A_182 : memref<1x16xf32, #tpu.memory_space<hbm>> -> memref<16xf32, #tpu.memory_space<hbm>>
      %dma_wait3A_184 = arith.constant 0 : i32
      %dma_wait3A_185 = tpu.memref_slice %arg6[%add3A_33, %dma_wait3A_184] : memref<32x16xf32, #tpu.memory_space<hbm>> -> memref<1x16xf32, #tpu.memory_space<hbm>>
      %dma_wait3A_186 = tpu.memref_squeeze %dma_wait3A_185 : memref<1x16xf32, #tpu.memory_space<hbm>> -> memref<16xf32, #tpu.memory_space<hbm>>
      tpu.wait_dma2 semaphore(%run_scoped3A : memref<!tpu.dma_semaphore, #tpu.memory_space<semaphore_mem>>) src(%arg21 : memref<16xf32, #tpu.memory_space<vmem>>) dst(%dma_wait3A_186 : memref<16xf32, #tpu.memory_space<hbm>>)
      tpu.yield
    }) : () -> ()
    return
  }
}

</mosaic_0001>

<sc_bundles>
// kernel: kernel.3.cloned.1.call-start
scs
__scs_entry_jumppad:
0x0: {  	(pc) =	sbr.rel $0x88, $3  }
0x1: {  	(tag) =	ssettag $0x0;
	lr =	simm.s32 $0x1  }
0x2: {  	[smem:$0x3F9F] =	sst lr;
	_ =	strace $0xD0000000  }
0x3: {  	_ = 	snop  }
0x4: {  	_ = 	snop  }
0x5: {  	_ = 	snop  }
0x6: {  	_ = 	snop  }
0x7: {  	_ = 	snop  }
__scs_overlays_trampoline_lowered:
0x8: {  	[smem:$0x3FAE] =	sst s0  }
0x9: {  	[smem:$0x3FAF] =	sst s1  }
0xa: {  	[smem:$0x3FB0] =	sst s2  }
0xb: {  	[smem:$0x3FB1] =	sst s3  }
0xc: {  	[smem:$0x3FB2] =	sst s4  }
0xd: {  	[smem:$0x3FB3] =	sst s5  }
0xe: {  	[smem:$0x3FB4] =	sst s6  }
0xf: {  	[smem:$0x3FB5] =	sst s7  }
0x10: {  	[smem:$0x3FB6] =	sst s8  }
0x11: {  	[smem:$0x3FB7] =	sst s9;
	s0 =	simm.s32 @!p0 $0x0  }
0x12: {  	s1 =	sld [smem:$0x3F9D];
	s0 =	simm.s32 @p0 $0x1  }
0x13: {  	[smem:$0x3FB8] =	sst s0;
	s0 =	simm.s32 @!p1 $0x0  }
0x14: {  	s2 =	sld [smem:$0x3F9C];
	s0 =	simm.s32 @p1 $0x1  }
0x15: {  	[smem:$0x3FB9] =	sst s0;
	s0 =	simm.s32 @!p2 $0x0  }
0x16: {  	s3 =	sld [smem:$0x3FDB];
	s0 =	simm.s32 @p2 $0x1  }
0x17: {  	s4 =	simm.s32 $0x1BF5;
	[smem:$0x3FBB] =	sst s0  }
0x18: {  	s0 =	sld [smem:$0x3F9E];
	_ =	swait.ge [sflag:s4], $0x0  }
0x19: {  	s7 =	sld [smem:$0x3F9F]  }
0x1a: {  	s8 =	sadd.s32 $0xFFFFE003, lr  }
0x1b: {  	s9 =	sadd.s32 $0xFFFFFEF7, lr;
	s5 =	simm.s32 $0xFFFFFFFF;
	p2 =	slt.u32 s8, $0xFFFFF086  }
0x1c: {  	p1 =	slt.u32 s9, $0xF7A;
	s5 =	simm.s32 @!p2 $0x0  }
0x1d: {  	s5 =	simm.s32 @p1 $0x1;
	p0 =	seq.s32 s7, s2  }
0x1e: {  	s7 =	smul.u32 @!p0 $0xF7A, s2;
	p2 =	seq.s32 @!p0 s5, $0x0  }
0x1f: {  	s9 =	smul.u32 $0xF7A, s1;
	s8 =	simm.s32 @!p0 $0x1BF5;
	p2 =	por !p2, p0  }
0x20: {  	[sflag:s8] =	ssyncset.s32 @!p0 $0xFFFFF086;
	s6 =	sadd.s32 @!p0 s3, s7;
	s7 =	simm.s32 @!p0 $0x108  }
0x21: {  	s3 =	sadd.s32 s3, s9;
	s6 =	sadd.s32 @!p0 $0x88, s6;
	s7 =	simm.s32 @p2 $0x1082  }
0x22: {  	[simem:s7], [sflag:s8] =	dma.local @!p0 [hbm:s6], $0xF7A  }
0x23: {  	s9 =	sor.u32 $0xD0000000, s2;
	s6 =	simm.s32 $0x108;
	_ =	swait.ge @!p0 [sflag:s8], $0x0  }
0x24: {  	s3 =	sadd.s32 $0x88, s3;
	s6 =	simm.s32 @!p1 $0x1082;
	[sflag:s4] =	ssyncset.s32 $0xFFFFF086  }
0x25: {  	[simem:s6], [sflag:s4] =	dma.local [hbm:s3], $0xF7A  }
0x26: {  	[smem:$0x3F9F] =	sst s1;
	(tag) =	ssettag s2;
	_ =	strace s9  }
0x27: {  	s1 =	sld [smem:$0x3FAF]  }
0x28: {  	s2 =	sld [smem:$0x3FB0]  }
0x29: {  	s4 =	sld [smem:$0x3FB2]  }
0x2a: {  	p0 =	seq.s32 s5, $0x0;
	s5 =	sld [smem:$0x3FB3]  }
0x2b: {  	s6 =	sld [smem:$0x3FB4]  }
0x2c: {  	s7 =	sld [smem:$0x3FB5]  }
0x2d: {  	s3 =	simm.s32 $0x108;
	s8 =	sld [smem:$0x3FB6]  }
0x2e: {  	s3 =	simm.s32 @!p0 $0x1082;
	s9 =	sld [smem:$0x3FB7]  }
0x2f: {  	lr =	sadd.s32 s0, s3;
	s0 =	sld [smem:$0x3FAE]  }
0x30: {  	s3 =	sld [smem:$0x3FB1]  }
0x31: {  	[smem:$0x3FBA] =	sst s10  }
0x32: {  	s10 =	sld [smem:$0x3FB8];
	_ =	sdelay $0x3  }
0x33: {  	p0 =	seq.s32 s10, $0x1;
	s10 =	sld [smem:$0x3FBA];
	_ =	sdelay $0x3  }
0x34: {  	[smem:$0x3FBA] =	sst s10  }
0x35: {  	s10 =	sld [smem:$0x3FB9];
	_ =	sdelay $0x3  }
0x36: {  	p1 =	seq.s32 s10, $0x1;
	s10 =	sld [smem:$0x3FBA];
	_ =	sdelay $0x3  }
0x37: {  	[smem:$0x3FBA] =	sst s10  }
0x38: {  	s10 =	sld [smem:$0x3FBB]  }
0x39: {  	_ = 	snop;
	(pc) =	sbr.ind lr, $3  }
0x3a: {  	_ = 	snop  }
0x3b: {  	_ = 	snop  }
0x3c: {  	p2 =	seq.s32 s10, $0x1;
	s10 =	sld [smem:$0x3FBA]  }
0x3d: {  	_ =	shalt  }
0x3e: {  	_ =	shalt  }
0x3f: {  	_ =	shalt  }
0x40: {  	_ =	shalt  }
0x41: {  	_ =	shalt  }
0x42: {  	_ =	shalt  }
0x43: {  	_ =	shalt  }
0x44: {  	_ =	shalt  }
0x45: {  	_ =	shalt  }
0x46: {  	_ =	shalt  }
0x47: {  	_ =	shalt  }
0x48: {  	_ =	shalt  }
0x49: {  	_ =	shalt  }
0x4a: {  	_ =	shalt  }
0x4b: {  	_ =	shalt  }
0x4c: {  	_ =	shalt  }
0x4d: {  	_ =	shalt  }
0x4e: {  	_ =	shalt  }
0x4f: {  	_ =	shalt  }
0x50: {  	_ =	shalt  }
0x51: {  	_ =	shalt  }
0x52: {  	_ =	shalt  }
0x53: {  	_ =	shalt  }
0x54: {  	_ =	shalt  }
0x55: {  	_ =	shalt  }
0x56: {  	_ =	shalt  }
0x57: {  	_ =	shalt  }
0x58: {  	_ =	shalt  }
0x59: {  	_ =	shalt  }
0x5a: {  	_ =	shalt  }
0x5b: {  	_ =	shalt  }
0x5c: {  	_ =	shalt  }
0x5d: {  	_ =	shalt  }
0x5e: {  	_ =	shalt  }
0x5f: {  	_ =	shalt  }
0x60: {  	_ =	shalt  }
0x61: {  	_ =	shalt  }
0x62: {  	_ =	shalt  }
0x63: {  	_ =	shalt  }
0x64: {  	_ =	shalt  }
0x65: {  	_ =	shalt  }
0x66: {  	_ =	shalt  }
0x67: {  	_ =	shalt  }
0x68: {  	_ =	shalt  }
0x69: {  	_ =	shalt  }
0x6a: {  	_ =	shalt  }
0x6b: {  	_ =	shalt  }
0x6c: {  	_ =	shalt  }
0x6d: {  	_ =	shalt  }
0x6e: {  	_ =	shalt  }
0x6f: {  	_ =	shalt  }
0x70: {  	_ =	shalt  }
0x71: {  	_ =	shalt  }
0x72: {  	_ =	shalt  }
0x73: {  	_ =	shalt  }
0x74: {  	_ =	shalt  }
0x75: {  	_ =	shalt  }
0x76: {  	_ =	shalt  }
0x77: {  	_ =	shalt  }
0x78: {  	_ =	shalt  }
0x79: {  	_ =	shalt  }
0x7a: {  	_ =	shalt  }
0x7b: {  	_ =	shalt  }
0x7c: {  	_ =	shalt  }
0x7d: {  	_ =	shalt  }
0x7e: {  	_ =	shalt  }
0x7f: {  	_ =	shalt  }
0x80: {  	_ =	shalt  }
0x81: {  	_ =	shalt  }
0x82: {  	_ =	shalt  }
0x83: {  	_ =	shalt  }
0x84: {  	_ =	shalt  }
0x85: {  	_ =	shalt  }
0x86: {  	_ =	shalt  }
0x87: {  	_ =	shalt  }
.Lfunc_end0:
.L_simem_size_0:
called_computation_lowered:
.L_overlay_start_0:
0x88: {  	s2 =	sld [smem:$0x3FD9]  }
0x89: {  	s3 =	sld [smem:$0x3FFE];
	_ =	sdelay $0x1  }
0x8a: {  	s1 =	srdreg.scid  }
0x8b: {  	s0 =	sand.u32 $0x1, s1  }
0x8c: {  	s17 =	sshll.u32 s0, $0xA;
	s2 =	sadd.s32 s3, s2  }
0x8d: {  	s2 =	sadd.s32 s2, s17  }
0x8e: {  	[smem:$0x3FC6] =	sst s2  }
0x8f: {  	_ = 	snop  }
0x90: {  	s2 =	sld [smem:$0x3FC8];
	(tm) =	ssettm $0x1  }
0x91: {  	s18 =	sld [smem:$0x3FFB];
	_ =	sdelay $0x3  }
0x92: {  	_ =	strace s18  }
0x93: {  	s3 =	sld [smem:$0x3FFC];
	_ =	sdelay $0x3  }
0x94: {  	_ =	strace s3  }
0x95: {  	s3 =	sld [smem:$0x3FFD];
	_ =	sdelay $0x3  }
0x96: {  	_ =	strace s3  }
0x97: {  	_ =	strace $0x8FFFFFFF  }
0x98: {  	s19 =	sld [smem:$0x3FDB];
	_ =	sdelay $0x1  }
0x99: {  	s4 =	simm.s32 $_scs_section_size  }
0x9a: {  	s5 =	simm.s32 $_size__tile_overlayer_lowered;
	s6 =	simm.s32 $_tile_overlayer_lowered  }
0x9b: {  	s22 =	simm.s32 $0x1BFF;
	s21 =	sshll.u32 s6, $0x1;
	s3 =	sadd.s32 s4, s19  }
0x9c: {  	s7 =	simm.s32 $0x0;
	s20 =	sshll.u32 s5, $0x1;
	s5 =	sadd.s32 s21, s3  }
0x9d: {  	[timem:s7], [sflag:s22] =	dma.local [hbm:s5], s20  }
0x9e: {  	_ =	swait.ge [sflag:s22], s20  }
0x9f: {  	s4 =	ssub.s32 $0x0, s20;
	[sflag:s22] =	ssyncset.done $0x0  }
0xa0: {  	[sflag:s22] =	ssyncadd.s32 s4;
	_ =	sdelay $0x1  }
0xa1: {  	s23 =	simm.s32 $0x1B8B  }
0xa2: {  	_ =	swait.ge [sflag:s23], $0x1  }
0xa3: {  	[sflag:s23] =	ssyncset.done $0x0  }
0xa4: {  	s25 =	simm.s32 $0x1B8E;
	s24 =	sld [smem:$0x3FFE];
	[sflag:s23] =	ssyncadd.s32 $0xFFFFFFFF  }
0xa5: {  	s26 =	simm.s32 $execute0_lowered;
	[smem:$0x3FD2] =	sst s25  }
0xa6: {  	s5 =	sshll.u32 s26, $0x1;
	_ =	strace $0x80000046;
	[dreg:$0x1] =	wrdreg $0xFFFFFFFF  }
0xa7: {  	s28 =	simm.s32 $_size_execute0_lowered;
	s3 =	sadd.s32 s3, s5;
	[dreg:$0x0] =	wrdreg $0x0  }
0xa8: {  	s5 =	sshll.u32 s28, $0x1;
	[dreg:$0x2] =	wrdreg s3  }
0xa9: {  	[dreg:$0x3] =	wrdreg s5  }
0xaa: {  	[dreg:$0x4] =	wrdreg $0xC0  }
0xab: {  	_ =	task [dreg:s7], $0x5FFFF  }
0xac: {  	[dreg:$0x1] =	wrdreg $0xFFFFFFFF  }
0xad: {  	[dreg:$0x0] =	wrdreg $0x60  }
0xae: {  	[dreg:$0x2] =	wrdreg s24  }
0xaf: {  	[dreg:$0x3] =	wrdreg s2  }
0xb0: {  	[dreg:$0x4] =	wrdreg $0x1EE800  }
0xb1: {  	[dreg:$0x5] =	wrdreg $0x1F0800  }
0xb2: {  	[dreg:$0x6] =	wrdreg $0x9  }
0xb3: {  	_ =	task.clear_ibuf [dreg:s7], $0x7FFFF;
	_ =	strace $0x90000046  }
0xb4: {  	s29 =	simm.s32 $0x9;
	_ =	strace $0x80000048  }
0xb5: {  	_ =	swait.ge [sflag:s29], $0x1  }
0xb6: {  	[sflag:s29] =	ssyncadd.s32 $0xFFFFFFFF  }
0xb7: {  	_ =	strace $0x90000048  }
0xb8: {  	_ =	sfence  }
0xb9: {  	s30 =	sld [smem:$0x0];
	_ =	sdelay $0x2  }
0xba: {  	s31 =	sshll.u32 s1, $0xD;
	s1 =	sshrl.u32 s1, $0x2  }
0xbb: {  	s3 =	sand.u32 $0x4000, s31;
	s1 =	sadd.s32 s1, s30  }
0xbc: {  	s0 =	sor.u32 s3, s0;
	s1 =	sshll.u32 s1, $0x11  }
0xbd: {  	s0 =	sor.u32 s1, s0  }
0xbe: {  	s0 =	sadd.s32 $0x8F2B, s0  }
0xbf: {  	[sflag:s0] =	ssyncadd.remote.s32 $0x1  }
0xc0: {  	_ =	sfence.sel $0xFFFF  }
0xc1: {  	[dreg:$0x0] =	wrdreg $0xFFFFFFFF;
	(pc) =	sbr.abs _section_cstart, $3  }
0xc2: {  	[dreg:$0x1] =	wrdreg $0xFFFFFFFF  }
0xc3: {  	_ =	task.clear_ibuf [dreg:s7], $0x2FFFF;
	_ =	strace $0x9FFFFFFF  }
0xc4: {  	(tm) =	ssettm $0x7FFFFFFF  }
0xc5: {  	_ =	shalt  }
tec
execute0_lowered:
.L_overlay_start_1:
0x0: {  	(tag) =	ssettag $0x1  }
0x1: {  	s24 =	rddreg [dreg:$0x0]  }
0x2: {  	s1 =	rddreg [dreg:$0x1]  }
0x3: {  	s2 =	rddreg [dreg:$0x2]  }
0x4: {  	s3 =	rddreg [dreg:$0x3]  }
0x5: {  	s0 =	srdreg.scid;
	s4 =	simm.s32 $0x0;
	s7 =	stileid.u32  }
0x6: {  	s29 =	simm.s32 $0x8000;
	s30 =	simm.s32 $0x4000;
	s31 =	simm.s32 $0x8080  }
0x7: {  	s8 =	sand.u32 $0x1, s0;
	[smem:$0x7FF] =	sst s4;
	s9 =	sshrl.u32 s7, $0x2  }
0x8: {  	s5 =	sadd.s32 $0x400000, s24;
	s6 =	sshll.u32 s7, $0x4;
	s15 =	sand.u32 $0x3, s7  }
0x9: {  	s17 =	sadd.s32 $0x1000, s3;
	s25 =	sadd.s32 $0x2000, s3;
	s26 =	sadd.s32 $0x3000, s3  }
0xa: {  	p0 =	sne.s32 s7, $0x0;
	s0 =	sshll.u32 s8, $0x2;
	_ =	strace $0x80000047  }
0xb: {  	s22 =	ssub.s32 $0x2, s8;
	s14 =	sadd.s32 s6, s24;
	[dreg:$0x7] =	wrdreg s17  }
0xc: {  	s16 =	sshll.u32 s15, $0xE;
	s23 =	sshll.u32 s15, $0x11;
	[dreg:$0x8] =	wrdreg s25  }
0xd: {  	[dreg:$0x9] =	wrdreg s26;
	s25 =	sshll.u32 s15, $0x15;
	s8 =	sshll.u32 s8, $0x8  }
0xe: {  	s17 =	sshll.u32 s9, $0xC;
	p1 =	sne.s32 s15, $0x0;
	s10 =	sor.u32 s9, s0  }
0xf: {  	s13 =	sshrl.u32 s22, $0x1;
	s28 =	sor.u32 $0x80, s16;
	s20 =	sor.u32 $0x100, s16  }
0x10: {  	s21 =	sor.u32 $0x180, s16;
	s18 =	sor.u32 $0x200, s16;
	s8 =	sadd.s32 s8, s14  }
0x11: {  	s14 =	simm.s32 $0x4;
	s11 =	sshll.u32 s10, $0x4;
	s0 =	ssub.s32 s22, s13  }
0x12: {  	s6 =	sshll.u32 s10, $0x7;
	s10 =	sshll.u32 s10, $0x17;
	[dreg:$0x5] =	wrdreg s20  }
0x13: {  	s19 =	sadd.s32 s1, s28;
	[dreg:$0x6] =	wrdreg s21;
	s20 =	sadd.s32 s1, s18  }
0x14: {  	s26 =	sshll.u32 s28, $0x7;
	s28 =	sshll.u32 s9, $0x5;
	s21 =	sadd.s32 s17, s2  }
0x15: {  	s12 =	sadd.s32 s11, s24;
	s13 =	sor.u32 s23, s6;
	s22 =	sadd.s32 s11, s19  }
0x16: {  	v0 =	vimm.s32 $0xBA98FEDC;
	s23 =	sadd.s32 s11, s20;
	s19 =	sshll.u32 s15, $0x17;
	s20 =	sshll.u32 s18, $0x9  }
0x17: {  	v2 =	vunpack.c.l.s4.s8 v0;
	v0 =	vmov s28;
	[dreg:$0xf] =	wrdreg s21;
	s28 =	sadd.s32 $0xC00200, s8;
	s0 =	smax.u32 s0, $0x1  }
0x18: {  	v1 =	vimm.s32 $0x32107654;
	s8 =	simm.s32 $0x80;
	s15 =	simm.s32 $0x8180;
	[dreg:$0xb] =	wrdreg s22  }
0x19: {  	v1 =	vunpack.c.l.s4.s8 v1;
	s18 =	simm.s32 $0xC200;
	s21 =	simm.s32 $0x14200;
	[dreg:$0xc] =	wrdreg s23  }
0x1a: {  	s13 =	sshrl.u32 s13, $0x3;
	s7 =	sor.u32 s19, s6;
	[dreg:$0x15] =	wrdreg s28  }
0x1b: {  	v3 =	vimm.s32 $0xFEDCBA98;
	v2 =	vunpack.c.0.s8.s32 v2;
	v1 =	vunpack.c.0.s8.s32 v1;
	s9 =	sor.u32 s6, s20;
	[dreg:$0x16] =	wrdreg s0;
	s0 =	simm.s32 $0x1  }
0x1c: {  	v5 =	vimm.s32 $0xDCFE98BA;
	v7 =	vimm.s32 $0x67452301;
	s19 =	simm.s32 $0x8200;
	s13 =	sadd.s32 s1, s13;
	s22 =	sshrl.u32 s7, $0x3  }
0x1d: {  	v6 =	vcombine.low v1, v2;
	v1 =	vunpack.c.l.s4.s8 v5;
	v5 =	vimm.s32 $0xEFCDAB89;
	s23 =	sshrl.u32 s9, $0x3;
	s7 =	simm.s32 $0x3;
	s9 =	simm.s32 $0x8100  }
0x1e: {  	v7 =	vunpack.c.l.s4.s8 v7;
	v2 =	vimm.s32 $0x54761032;
	v5 =	vunpack.c.l.s4.s8 v5;
	[dreg:$0xa] =	wrdreg s13;
	s13 =	sadd.s32 s1, s11;
	s1 =	sor.u32 s25, s10  }
0x1f: {  	v4 =	vimm.s32 $0x76543210;
	v3 =	vunpack.c.l.s4.s8 v3;
	v2 =	vunpack.c.l.s4.s8 v2;
	s11 =	sor.u32 s10, s26;
	s25 =	sadd.s32 $0xC00000, s12;
	s26 =	sadd.s32 s24, s23  }
0x20: {  	v4 =	vunpack.c.l.s4.s8 v4;
	v7 =	vunpack.c.0.s8.s32 v7;
	s23 =	sor.u32 $0x600, s16;
	v5 =	vunpack.c.0.s8.s32 v5;
	s1 =	sshrl.u32 s1, $0x3;
	[dreg:$0x11] =	wrdreg s25  }
0x21: {  	v3 =	vunpack.c.0.s8.s32 v3;
	v1 =	vunpack.c.0.s8.s32 v1;
	v2 =	vunpack.c.0.s8.s32 v2;
	s11 =	sshrl.u32 s11, $0x3;
	[dreg:$0x13] =	wrdreg s26;
	s1 =	sadd.s32 s5, s1  }
0x22: {  	v4 =	vunpack.c.0.s8.s32 v4;
	s12 =	simm.s32 $0x2;
	s11 =	sadd.s32 s5, s11;
	v7 =	vcombine.low v7, v5;
	[dreg:$0xd] =	wrdreg s1  }
0x23: {  	s26 =	simm.s32 $0x5;
	v8 =	vcombine.low v2, v1;
	v2 =	vand.u32 $0xF, v3;
	[dreg:$0xe] =	wrdreg s11;
	s1 =	sadd.s32 s17, s3  }
0x24: {  	s25 =	simm.s32 $0x1D600;
	v2 =	vcombine.low v2, v4;
	v4 =	vand.u32 $0xF, v6;
	[dreg:$0x10] =	wrdreg s1;
	s1 =	sadd.s32 s24, s22;
	v6 =	vand.u32 $0xF, v7  }
0x25: {  	vm0 =	vmxor vm0, vm0;
	s17 =	simm.s32 $0x400;
	s22 =	sor.u32 $0x400, s16;
	v5 =	vand.u32 $0xF, v8;
	v8 =	vlaneseq.u32;
	[dreg:$0x12] =	wrdreg s1  }
0x26: {  	v1 =	vimm.f32 $1.000000000e+00;
	v3 =	vimm.f32 $0.0e+00;
	s11 =	simm.s32 $0x0;
	s16 =	simm.s32 $0x1EE00;
	v7 =	vmul.u32 $0x40, v8;
	[dreg:$0x14] =	wrdreg s22  }
.LBB2_1:
0x27: {  	[dreg:$0x17] =	wrdreg s11;
	s1 =	simm.s32 $0x200;
	s11 =	simm.s32 $0x0  }
.LBB2_2:
0x28: {  	p2 =	sne.s32 s1, $0xFE00;
	[tilespmem:s11+$0x8200] =	vst v1;
	s11 =	smov.u32 s1;
	s1 =	sadd.s32 $0x200, s1  }
.Ltmp0:
0x29: {  	(pc) =	sbr.rel @p2 .LBB2_2-.Ltmp0, $2  }
0x2a: {  	_ =	sdelay $0x2  }
0x2b: {  	s11 =	sshra.s32 s11, $0x2  }
.Ltmp1:
0x2c: {  	(pc) =	sbr.rel @p0 .LBB2_7-.Ltmp1, $2  }
0x2d: {  	_ =	sdelay $0x2  }
0x2e: {  	[tilespmem:s11+$0x8200] =	vst v1  }
0x2f: {  	s11 =	simm.s32 $0x200;
	s1 =	simm.s32 $0x0  }
.LBB2_5:
0x30: {  	p2 =	sne.s32 s11, $0xFE00;
	[tilespmem:s1+$0x30] =	vst v3;
	s20 =	smov.u32 s11;
	s11 =	sadd.s32 $0x200, s11  }
.Ltmp2:
0x31: {  	[tilespmem:s1+$0x20] =	vst v3;
	(pc) =	sbr.rel @p2 .LBB2_5-.Ltmp2, $3  }
0x32: {  	[tilespmem:s1+$0x0] =	vst v3  }
0x33: {  	[tilespmem:s1+$0x10] =	vst v3;
	_ =	sdelay $0x1  }
0x34: {  	s1 =	sshra.s32 s20, $0x2  }
0x35: {  	[tilespmem:s1+$0x30] =	vst v3  }
0x36: {  	[tilespmem:s1+$0x20] =	vst v3  }
0x37: {  	[tilespmem:s1+$0x0] =	vst v3  }
0x38: {  	[tilespmem:s1+$0x10] =	vst v3  }
0x39: {  	[tilespmem:$0x1DE00] =	vst v3  }
0x3a: {  	[tilespmem:$0x1DE80] =	vst v3  }
0x3b: {  	[tilespmem:$0x1DF00] =	vst v3  }
0x3c: {  	[tilespmem:$0x1DF80] =	vst v3  }
0x3d: {  	[tilespmem:$0x1E000] =	vst v3  }
0x3e: {  	[tilespmem:$0x1E080] =	vst v3  }
0x3f: {  	[tilespmem:$0x1E100] =	vst v3  }
0x40: {  	[tilespmem:$0x1E180] =	vst v3  }
0x41: {  	[tilespmem:$0x1E200] =	vst v3  }
0x42: {  	[tilespmem:$0x1E280] =	vst v3  }
0x43: {  	[tilespmem:$0x1E300] =	vst v3  }
0x44: {  	[tilespmem:$0x1E380] =	vst v3  }
0x45: {  	[tilespmem:$0x1E400] =	vst v3  }
0x46: {  	[tilespmem:$0x1E480] =	vst v3  }
0x47: {  	[tilespmem:$0x1E500] =	vst v3  }
0x48: {  	[tilespmem:$0x1E580] =	vst v3  }
0x49: {  	[tilespmem:$0x1E600] =	vst v3  }
0x4a: {  	[tilespmem:$0x1E680] =	vst v3  }
0x4b: {  	[tilespmem:$0x1E700] =	vst v3  }
0x4c: {  	[tilespmem:$0x1E780] =	vst v3  }
0x4d: {  	[tilespmem:$0x1E800] =	vst v3  }
0x4e: {  	[tilespmem:$0x1E880] =	vst v3  }
0x4f: {  	[tilespmem:$0x1E900] =	vst v3  }
0x50: {  	[tilespmem:$0x1E980] =	vst v3  }
0x51: {  	[tilespmem:$0x1EA00] =	vst v3  }
0x52: {  	[tilespmem:$0x1EA80] =	vst v3  }
0x53: {  	[tilespmem:$0x1EB00] =	vst v3  }
0x54: {  	[tilespmem:$0x1EB80] =	vst v3  }
0x55: {  	[tilespmem:$0x1EC00] =	vst v3  }
0x56: {  	[tilespmem:$0x1EC80] =	vst v3  }
0x57: {  	[tilespmem:$0x1ED00] =	vst v3  }
0x58: {  	[tilespmem:$0x1ED80] =	vst v3  }
0x59: {  	[spmem:s2] =	stream.linear.scatter [tilespmem:s4], [sflag:$0x5], $0x4000, $0x38;
	[tilespmem:$0x1F100] =	vst v63  }
0x5a: {  	_ =	swait.ge [sflag:s26], $0x4000  }
0x5b: {  	[sflag:s26] =	ssyncset.done $0x0  }
0x5c: {  	s11 =	simm.s32 $0x1DE00;
	[sflag:s26] =	ssyncadd.s32 $0xFFFFC000  }
0x5d: {  	[spmem:s3] =	stream.linear.scatter [tilespmem:s11], [sflag:$0x5], $0x1000, $0x38;
	[tilespmem:$0x1F100] =	vst v63  }
0x5e: {  	_ =	swait.ge [sflag:s26], $0x1000  }
0x5f: {  	[sflag:s26] =	ssyncset.done $0x0  }
0x60: {  	s20 =	rddreg [dreg:$0x7];
	[sflag:s26] =	ssyncadd.s32 $0xFFFFF000  }
0x61: {  	[spmem:s20] =	stream.linear.scatter [tilespmem:s11], [sflag:$0x5], $0x1000, $0x38;
	[tilespmem:$0x1F100] =	vst v63  }
0x62: {  	_ =	swait.ge [sflag:s26], $0x1000  }
0x63: {  	[sflag:s26] =	ssyncset.done $0x0  }
0x64: {  	s22 =	rddreg [dreg:$0x8];
	[sflag:s26] =	ssyncadd.s32 $0xFFFFF000  }
0x65: {  	[spmem:s22] =	stream.linear.scatter [tilespmem:s11], [sflag:$0x5], $0x1000, $0x38;
	[tilespmem:$0x1F100] =	vst v63  }
0x66: {  	_ =	swait.ge [sflag:s26], $0x1000  }
0x67: {  	[sflag:s26] =	ssyncset.done $0x0  }
0x68: {  	s28 =	rddreg [dreg:$0x9];
	[sflag:s26] =	ssyncadd.s32 $0xFFFFF000  }
0x69: {  	[spmem:s28] =	stream.linear.scatter [tilespmem:s11], [sflag:$0x5], $0x1000, $0x38;
	[tilespmem:$0x1F100] =	vst v63  }
0x6a: {  	_ =	swait.ge [sflag:s26], $0x1000  }
0x6b: {  	[sflag:s26] =	ssyncset.done $0x0  }
0x6c: {  	[sflag:s26] =	ssyncadd.s32 $0xFFFFF000  }
.LBB2_7:
0x6d: {  	[bflag:$0x0] =	sbarrier.arrive $0xFFFF  }
0x6e: {  	s11 =	simm.s32 $0x0;
	s1 =	rddreg [dreg:$0xd]  }
0x6f: {  	[tilespmem:s11], [sflag:$0x1] =	stream.linear.gather [hbm4b:s1+s11], $0x4000, $0x38;
	[tilespmem:$0x1F100] =	vst v63  }
0x70: {  	s20 =	rddreg [dreg:$0xa]  }
0x71: {  	[tilespmem:s29], [sflag:$0x3] =	stream.linear.gather [hbm4b:s20+s11], $0x80, $0x38;
	[tilespmem:$0x1F100] =	vst v63  }
0x72: {  	s22 =	rddreg [dreg:$0xe]  }
0x73: {  	[tilespmem:s30], [sflag:$0x2] =	stream.linear.gather [hbm4b:s22+s11], $0x4000, $0x38;
	[tilespmem:$0x1F100] =	vst v63  }
0x74: {  	s20 =	rddreg [dreg:$0xb]  }
0x75: {  	[tilespmem:s31], [sflag:$0x4] =	stream.linear.gather [hbm4b:s20+s11], $0x80, $0x38;
	[tilespmem:$0x1F100] =	vst v63  }
0x76: {  	_ =	swait.ge [sflag:s0], $0x4000  }
0x77: {  	[sflag:s0] =	ssyncset.done $0x0  }
0x78: {  	[sflag:s0] =	ssyncadd.s32 $0xFFFFC000  }
0x79: {  	_ =	swait.ge [sflag:s7], $0x80  }
0x7a: {  	[sflag:s7] =	ssyncset.done $0x0  }
0x7b: {  	[sflag:s7] =	ssyncadd.s32 $0xFFFFFF80  }
0x7c: {  	v8 =	vld [tilespmem:$0x8060]  }
0x7d: {  	v9 =	vld [tilespmem:$0x8030]  }
0x7e: {  	v10 =	vld [tilespmem:$0x8020]  }
0x7f: {  	v11 =	vld [tilespmem:$0x8010]  }
0x80: {  	v12 =	vld [tilespmem:$0x8040]  }
0x81: {  	v13 =	vld [tilespmem:$0x8000];
	v8 =	vadd.s32 v0, v8  }
0x82: {  	v14 =	vld [tilespmem:$0x8050];
	v9 =	vadd.s32 v0, v9;
	[tilespmem:$0x8160] =	vst v8  }
0x83: {  	v10 =	vadd.s32 v0, v10;
	v8 =	vld [tilespmem:$0x8070];
	[tilespmem:$0x8130] =	vst v9  }
0x84: {  	v60 =	vadd.s32 v0, v11;
	[tilespmem:$0x8120] =	vst v10  }
0x85: {  	v61 =	vadd.s32 v0, v12;
	[tilespmem:$0x8110] =	vst v60  }
0x86: {  	v62 =	vadd.s32 v0, v13;
	[tilespmem:$0x8140] =	vst v61  }
0x87: {  	v63 =	vadd.s32 v0, v14;
	[tilespmem:$0x8100] =	vst v62  }
0x88: {  	[tilespmem:$0x8150] =	vst v63;
	v8 =	vadd.s32 v0, v8  }
0x89: {  	[tilespmem:$0x8170] =	vst v8  }
0x8a: {  	[spmem:s2] =	stream.indirect.scatter.add.f32 [tilespmem:s4], [sflag:$0x5], $0x40, s9, s8, $0xb8;
	[tilespmem:$0x1F100] =	vst v63  }
0x8b: {  	_ =	swait.ge [sflag:s26], $0x2000  }
0x8c: {  	[sflag:s26] =	ssyncset.done $0x0  }
0x8d: {  	[sflag:s26] =	ssyncadd.s32 $0xFFFFE000  }
0x8e: {  	[spmem:s3] =	stream.indirect.scatter.add.f32 [tilespmem:s19], [sflag:$0x5], $0x10, s9, s8, $0xb8;
	[tilespmem:$0x1F100] =	vst v63  }
0x8f: {  	s20 =	smin.u32 s11, $0x7D;
	_ =	swait.ge [sflag:s26], $0x800  }
0x90: {  	s20 =	sshll.u32 s20, $0x7;
	s22 =	rddreg [dreg:$0x5]  }
0x91: {  	s1 =	sadd.s32 s20, s22  }
0x92: {  	s20 =	sshll.u32 s1, $0x7  }
0x93: {  	s20 =	sadd.s32 s10, s20  }
0x94: {  	[sflag:s26] =	ssyncset.done $0x0;
	s20 =	sshrl.u32 s20, $0x3  }
0x95: {  	[sflag:s26] =	ssyncadd.s32 $0xFFFFF800;
	s20 =	sadd.s32 s5, s20  }
0x96: {  	[tilespmem:s4], [sflag:$0x1] =	stream.linear.gather [hbm4b:s20+s4], $0x4000, $0x38;
	[tilespmem:$0x1F100] =	vst v63  }
0x97: {  	s1 =	sadd.s32 s1, s13  }
0x98: {  	[tilespmem:s29], [sflag:$0x3] =	stream.linear.gather [hbm4b:s1+s4], $0x80, $0x38;
	[tilespmem:$0x1F100] =	vst v63  }
0x99: {  	_ =	swait.ge [sflag:s12], $0x4000  }
0x9a: {  	[sflag:s12] =	ssyncset.done $0x0  }
0x9b: {  	[sflag:s12] =	ssyncadd.s32 $0xFFFFC000  }
0x9c: {  	_ =	swait.ge [sflag:s14], $0x80  }
0x9d: {  	[sflag:s14] =	ssyncset.done $0x0  }
0x9e: {  	s28 =	simm.s32 $0x2;
	[sflag:s14] =	ssyncadd.s32 $0xFFFFFF80  }
.LBB2_8:
0x9f: {  	v8 =	vld [tilespmem:$0x80F0]  }
0xa0: {  	v9 =	vld [tilespmem:$0x80E0]  }
0xa1: {  	v10 =	vld [tilespmem:$0x80D0]  }
0xa2: {  	v11 =	vld [tilespmem:$0x80C0]  }
0xa3: {  	v12 =	vld [tilespmem:$0x80B0]  }
0xa4: {  	v13 =	vld [tilespmem:$0x80A0];
	v8 =	vadd.s32 v0, v8  }
0xa5: {  	v14 =	vld [tilespmem:$0x8090];
	v9 =	vadd.s32 v0, v9;
	[tilespmem:$0x81F0] =	vst v8  }
0xa6: {  	v10 =	vadd.s32 v0, v10;
	v8 =	vld [tilespmem:$0x8080];
	[tilespmem:$0x81E0] =	vst v9  }
0xa7: {  	v50 =	vadd.s32 v0, v11;
	[tilespmem:$0x81D0] =	vst v10  }
0xa8: {  	v51 =	vadd.s32 v0, v12;
	[tilespmem:$0x81C0] =	vst v50  }
0xa9: {  	v52 =	vadd.s32 v0, v13;
	[tilespmem:$0x81B0] =	vst v51  }
0xaa: {  	v53 =	vadd.s32 v0, v14;
	[tilespmem:$0x81A0] =	vst v52  }
0xab: {  	[tilespmem:$0x8190] =	vst v53;
	v8 =	vadd.s32 v0, v8  }
0xac: {  	[tilespmem:$0x8180] =	vst v8  }
0xad: {  	[spmem:s2] =	stream.indirect.scatter.add.f32 [tilespmem:s30], [sflag:$0x5], $0x40, s15, s8, $0xb8;
	[tilespmem:$0x1F100] =	vst v63  }
0xae: {  	_ =	swait.ge [sflag:s26], $0x2000  }
0xaf: {  	[sflag:s26] =	ssyncset.done $0x0  }
0xb0: {  	[sflag:s26] =	ssyncadd.s32 $0xFFFFE000  }
0xb1: {  	[spmem:s3] =	stream.indirect.scatter.add.f32 [tilespmem:s19], [sflag:$0x5], $0x10, s15, s8, $0xb8;
	[tilespmem:$0x1F100] =	vst v63  }
0xb2: {  	s22 =	smin.u32 s11, $0x7C;
	_ =	swait.ge [sflag:s26], $0x800  }
0xb3: {  	s1 =	smov.u32 s28;
	s22 =	sshll.u32 s22, $0x7;
	s20 =	rddreg [dreg:$0x6]  }
0xb4: {  	s11 =	smov.u32 s1;
	s1 =	sadd.s32 s22, s20  }
0xb5: {  	s20 =	sshll.u32 s1, $0x7  }
0xb6: {  	s20 =	sadd.s32 s10, s20  }
0xb7: {  	[sflag:s26] =	ssyncset.done $0x0;
	s20 =	sshrl.u32 s20, $0x3  }
0xb8: {  	[sflag:s26] =	ssyncadd.s32 $0xFFFFF800;
	s20 =	sadd.s32 s5, s20  }
0xb9: {  	[tilespmem:s30], [sflag:$0x2] =	stream.linear.gather [hbm4b:s20+s4], $0x4000, $0x38;
	[tilespmem:$0x1F100] =	vst v63  }
0xba: {  	s1 =	sadd.s32 s1, s13  }
0xbb: {  	[tilespmem:s31], [sflag:$0x4] =	stream.linear.gather [hbm4b:s1+s4], $0x80, $0x38;
	[tilespmem:$0x1F100] =	vst v63  }
0xbc: {  	_ =	swait.ge [sflag:s0], $0x4000  }
0xbd: {  	[sflag:s0] =	ssyncset.done $0x0  }
0xbe: {  	[sflag:s0] =	ssyncadd.s32 $0xFFFFC000  }
0xbf: {  	_ =	swait.ge [sflag:s7], $0x80  }
0xc0: {  	[sflag:s7] =	ssyncset.done $0x0  }
0xc1: {  	[sflag:s7] =	ssyncadd.s32 $0xFFFFFF80  }
0xc2: {  	v8 =	vld [tilespmem:$0x8060]  }
0xc3: {  	v55 =	vld [tilespmem:$0x8030]  }
0xc4: {  	v54 =	vld [tilespmem:$0x8020]  }
0xc5: {  	v56 =	vld [tilespmem:$0x8010]  }
0xc6: {  	v58 =	vld [tilespmem:$0x8040]  }
0xc7: {  	v59 =	vld [tilespmem:$0x8000];
	v8 =	vadd.s32 v0, v8  }
0xc8: {  	v57 =	vld [tilespmem:$0x8050];
	v10 =	vadd.s32 v0, v55;
	[tilespmem:$0x8160] =	vst v8  }
0xc9: {  	v9 =	vadd.s32 v0, v54;
	v8 =	vld [tilespmem:$0x8070];
	[tilespmem:$0x8130] =	vst v10  }
0xca: {  	v60 =	vadd.s32 v0, v56;
	[tilespmem:$0x8120] =	vst v9  }
0xcb: {  	v61 =	vadd.s32 v0, v58;
	[tilespmem:$0x8110] =	vst v60  }
0xcc: {  	v62 =	vadd.s32 v0, v59;
	[tilespmem:$0x8140] =	vst v61  }
0xcd: {  	v63 =	vadd.s32 v0, v57;
	[tilespmem:$0x8100] =	vst v62  }
0xce: {  	[tilespmem:$0x8150] =	vst v63;
	v8 =	vadd.s32 v0, v8  }
0xcf: {  	[tilespmem:$0x8170] =	vst v8  }
0xd0: {  	[spmem:s2] =	stream.indirect.scatter.add.f32 [tilespmem:s4], [sflag:$0x5], $0x40, s9, s8, $0xb8;
	[tilespmem:$0x1F100] =	vst v63  }
0xd1: {  	_ =	swait.ge [sflag:s26], $0x2000  }
0xd2: {  	[sflag:s26] =	ssyncset.done $0x0  }
0xd3: {  	[sflag:s26] =	ssyncadd.s32 $0xFFFFE000  }
0xd4: {  	[spmem:s3] =	stream.indirect.scatter.add.f32 [tilespmem:s19], [sflag:$0x5], $0x10, s9, s8, $0xb8;
	[tilespmem:$0x1F100] =	vst v63  }
0xd5: {  	s22 =	smin.u32 s11, $0x7D;
	_ =	swait.ge [sflag:s26], $0x800  }
0xd6: {  	s20 =	sshll.u32 s22, $0x7;
	s1 =	rddreg [dreg:$0x5]  }
0xd7: {  	s1 =	sadd.s32 s20, s1  }
0xd8: {  	s20 =	sshll.u32 s1, $0x7  }
0xd9: {  	s20 =	sadd.s32 s10, s20  }
0xda: {  	[sflag:s26] =	ssyncset.done $0x0;
	s20 =	sshrl.u32 s20, $0x3  }
0xdb: {  	[sflag:s26] =	ssyncadd.s32 $0xFFFFF800;
	s20 =	sadd.s32 s5, s20  }
0xdc: {  	[tilespmem:s4], [sflag:$0x1] =	stream.linear.gather [hbm4b:s20+s4], $0x4000, $0x38;
	[tilespmem:$0x1F100] =	vst v63  }
0xdd: {  	s1 =	sadd.s32 s1, s13  }
0xde: {  	[tilespmem:s29], [sflag:$0x3] =	stream.linear.gather [hbm4b:s1+s4], $0x80, $0x38;
	[tilespmem:$0x1F100] =	vst v63  }
0xdf: {  	p2 =	sne.s32 s28, $0x7E;
	_ =	swait.ge [sflag:s12], $0x4000  }
.Ltmp3:
0xe0: {  	[sflag:s12] =	ssyncset.done $0x0;
	(pc) =	sbr.rel @p2 .LBB2_8-.Ltmp3, $4  }
0xe1: {  	[sflag:s12] =	ssyncadd.s32 $0xFFFFC000  }
0xe2: {  	_ =	swait.ge [sflag:s14], $0x80  }
0xe3: {  	[sflag:s14] =	ssyncset.done $0x0  }
0xe4: {  	s28 =	sadd.s32 $0x2, s28;
	[sflag:s14] =	ssyncadd.s32 $0xFFFFFF80  }
0xe5: {  	v8 =	vld [tilespmem:$0x80F0]  }
0xe6: {  	v9 =	vld [tilespmem:$0x80E0]  }
0xe7: {  	v10 =	vld [tilespmem:$0x80D0]  }
0xe8: {  	v11 =	vld [tilespmem:$0x80C0]  }
0xe9: {  	v12 =	vld [tilespmem:$0x80B0]  }
0xea: {  	v13 =	vld [tilespmem:$0x80A0];
	v8 =	vadd.s32 v0, v8  }
0xeb: {  	v14 =	vld [tilespmem:$0x8090];
	v9 =	vadd.s32 v0, v9;
	[tilespmem:$0x81F0] =	vst v8  }
0xec: {  	v10 =	vadd.s32 v0, v10;
	v8 =	vld [tilespmem:$0x8080];
	[tilespmem:$0x81E0] =	vst v9  }
0xed: {  	v57 =	vadd.s32 v0, v11;
	[tilespmem:$0x81D0] =	vst v10  }
0xee: {  	v58 =	vadd.s32 v0, v12;
	[tilespmem:$0x81C0] =	vst v57  }
0xef: {  	v59 =	vadd.s32 v0, v13;
	[tilespmem:$0x81B0] =	vst v58  }
0xf0: {  	v60 =	vadd.s32 v0, v14;
	[tilespmem:$0x81A0] =	vst v59  }
0xf1: {  	[tilespmem:$0x8190] =	vst v60;
	v8 =	vadd.s32 v0, v8  }
0xf2: {  	[tilespmem:$0x8180] =	vst v8  }
0xf3: {  	[spmem:s2] =	stream.indirect.scatter.add.f32 [tilespmem:s30], [sflag:$0x5], $0x40, s15, s8, $0xb8;
	[tilespmem:$0x1F100] =	vst v63  }
0xf4: {  	_ =	swait.ge [sflag:s26], $0x2000  }
0xf5: {  	[sflag:s26] =	ssyncset.done $0x0  }
0xf6: {  	[sflag:s26] =	ssyncadd.s32 $0xFFFFE000  }
0xf7: {  	[spmem:s3] =	stream.indirect.scatter.add.f32 [tilespmem:s19], [sflag:$0x5], $0x10, s15, s8, $0xb8;
	[tilespmem:$0x1F100] =	vst v63  }
0xf8: {  	s11 =	smin.u32 s11, $0x7C;
	_ =	swait.ge [sflag:s26], $0x800  }
0xf9: {  	s11 =	sshll.u32 s11, $0x7;
	s1 =	rddreg [dreg:$0x6]  }
0xfa: {  	s1 =	sadd.s32 s11, s1  }
0xfb: {  	s11 =	sshll.u32 s1, $0x7  }
0xfc: {  	s11 =	sadd.s32 s10, s11  }
0xfd: {  	[sflag:s26] =	ssyncset.done $0x0;
	s11 =	sshrl.u32 s11, $0x3  }
0xfe: {  	[sflag:s26] =	ssyncadd.s32 $0xFFFFF800;
	s11 =	sadd.s32 s5, s11  }
0xff: {  	[tilespmem:s30], [sflag:$0x2] =	stream.linear.gather [hbm4b:s11+s4], $0x4000, $0x38;
	[tilespmem:$0x1F100] =	vst v63  }
0x100: {  	s1 =	sadd.s32 s1, s13  }
0x101: {  	[tilespmem:s31], [sflag:$0x4] =	stream.linear.gather [hbm4b:s1+s4], $0x80, $0x38;
	[tilespmem:$0x1F100] =	vst v63  }
0x102: {  	_ =	swait.ge [sflag:s0], $0x4000  }
0x103: {  	[sflag:s0] =	ssyncset.done $0x0  }
0x104: {  	[sflag:s0] =	ssyncadd.s32 $0xFFFFC000  }
0x105: {  	_ =	swait.ge [sflag:s7], $0x80  }
0x106: {  	[sflag:s7] =	ssyncset.done $0x0  }
0x107: {  	[sflag:s7] =	ssyncadd.s32 $0xFFFFFF80  }
0x108: {  	_ =	swait.ge [sflag:s12], $0x4000  }
0x109: {  	[sflag:s12] =	ssyncset.done $0x0  }
0x10a: {  	[sflag:s12] =	ssyncadd.s32 $0xFFFFC000  }
0x10b: {  	_ =	swait.ge [sflag:s14], $0x80  }
0x10c: {  	[sflag:s14] =	ssyncset.done $0x0  }
0x10d: {  	[sflag:s14] =	ssyncadd.s32 $0xFFFFFF80  }
0x10e: {  	[bflag:$0x0] =	sbarrier.arrive $0xFFFF  }
0x10f: {  	s28 =	simm.s32 $0x1C600;
	s22 =	rddreg [dreg:$0xf]  }
0x110: {  	[tilespmem:s28], [sflag:$0x5] =	stream.linear.gather [spmem:s22], $0x1000, $0x38;
	[tilespmem:$0x1F100] =	vst v63  }
0x111: {  	_ =	swait.ge [sflag:s26], $0x1000  }
0x112: {  	[sflag:s26] =	ssyncset.done $0x0  }
0x113: {  	s22 =	simm.s32 $0x1DE00;
	s20 =	rddreg [dreg:$0x10];
	[sflag:s26] =	ssyncadd.s32 $0xFFFFF000  }
0x114: {  	[tilespmem:s22], [sflag:$0x5] =	stream.linear.gather [spmem:s20], $0x1000, $0x38;
	[tilespmem:$0x1F100] =	vst v63  }
0x115: {  	_ =	swait.ge [sflag:s26], $0x1000  }
0x116: {  	[sflag:s26] =	ssyncset.done $0x0  }
0x117: {  	s28 =	simm.s32 $0x0;
	[sflag:s26] =	ssyncadd.s32 $0xFFFFF000  }
0x118: {  	v8 =	vld [tilespmem:s28+$0x1DE00];
	_ =	sdelay $0x4  }
0x119: {  	v61 =	vmax.f32 v8, $1.000000000e+00  }
0x11a: {  	(erf) = vrcp.f32 v61;
	_ =	sdelay $0x4  }
0x11b: {  	v62 =	vld [tilespmem:s28+$0x1C600];
	_ =	sdelay $0x3  }
0x11c: {  	v63 =	vpop (erf)  }
0x11d: {  	v9 =	vmul.f32 v63, v62  }
0x11e: {  	vm1 =	vgt.f32 v8, $0.0e+00  }
0x11f: {  	s11 =	simm.s32 $0x1D620;
	v8 =	vnsel vm1, $0x0, v9  }
0x120: {  	[tilespmem:s11+$0xFFFFFFE0] =	vst v8  }
0x121: {  	v8 =	vld [tilespmem:s28+$0x1C610];
	_ =	sdelay $0x4  }
0x122: {  	v8 =	vmul.f32 v8, v63;
	_ =	sdelay $0x1  }
0x123: {  	v8 =	vnsel vm1, $0x0, v8  }
0x124: {  	[tilespmem:s11+$0xFFFFFFF0] =	vst v8  }
0x125: {  	v8 =	vld [tilespmem:s28+$0x1C620];
	_ =	sdelay $0x4  }
0x126: {  	v8 =	vmul.f32 v8, v63;
	_ =	sdelay $0x1  }
0x127: {  	v8 =	vnsel vm1, $0x0, v8  }
0x128: {  	[tilespmem:s11+$0x0] =	vst v8  }
0x129: {  	v8 =	vld [tilespmem:s28+$0x1C630];
	_ =	sdelay $0x4  }
0x12a: {  	v8 =	vmul.f32 v8, v63;
	_ =	sdelay $0x1  }
0x12b: {  	v8 =	vnsel vm1, $0x0, v8  }
0x12c: {  	s1 =	simm.s32 $0x80;
	s20 =	simm.s32 $0x400;
	[tilespmem:s11+$0x10] =	vst v8  }
.LBB2_10:
0x12d: {  	p2 =	sne.s32 s20, $0x3E00;
	v8 =	vld [tilespmem:s1+$0x1DE00]  }
0x12e: {  	v9 =	vld [tilespmem:s1+$0x1C600];
	_ =	sdelay $0x3  }
0x12f: {  	v10 =	vmax.f32 v8, $1.000000000e+00  }
0x130: {  	(erf) = vrcp.f32 v10;
	_ =	sdelay $0x8  }
0x131: {  	v10 =	vpop (erf)  }
0x132: {  	v9 =	vmul.f32 v10, v9  }
0x133: {  	vm1 =	vgt.f32 v8, $0.0e+00  }
0x134: {  	s11 =	sadd.s32 $0x40, s11;
	v8 =	vnsel vm1, $0x0, v9  }
0x135: {  	[tilespmem:s11+$0xFFFFFFE0] =	vst v8  }
0x136: {  	v8 =	vld [tilespmem:s1+$0x1C610];
	_ =	sdelay $0x4  }
0x137: {  	v8 =	vmul.f32 v8, v10;
	_ =	sdelay $0x1  }
0x138: {  	v8 =	vnsel vm1, $0x0, v8  }
0x139: {  	[tilespmem:s11+$0xFFFFFFF0] =	vst v8  }
0x13a: {  	v8 =	vld [tilespmem:s1+$0x1C620];
	_ =	sdelay $0x4  }
0x13b: {  	v8 =	vmul.f32 v8, v10;
	_ =	sdelay $0x1  }
0x13c: {  	v8 =	vnsel vm1, $0x0, v8  }
0x13d: {  	[tilespmem:s11+$0x0] =	vst v8  }
0x13e: {  	v8 =	vld [tilespmem:s1+$0x1C630];
	_ =	sdelay $0x3  }
.Ltmp4:
0x13f: {  	(pc) =	sbr.rel @p2 .LBB2_10-.Ltmp4, $3  }
0x140: {  	v8 =	vmul.f32 v8, v10;
	_ =	sdelay $0x1  }
0x141: {  	v8 =	vnsel vm1, $0x0, v8  }
0x142: {  	s1 =	sshra.s32 s20, $0x2;
	s20 =	sadd.s32 $0x200, s20;
	[tilespmem:s11+$0x10] =	vst v8  }
0x143: {  	v8 =	vld [tilespmem:s1+$0x1DE00];
	_ =	sdelay $0x4  }
0x144: {  	v9 =	vmax.f32 v8, $1.000000000e+00  }
0x145: {  	(erf) = vrcp.f32 v9;
	_ =	sdelay $0x4  }
0x146: {  	v9 =	vld [tilespmem:s1+$0x1C600];
	_ =	sdelay $0x3  }
0x147: {  	v10 =	vpop (erf)  }
0x148: {  	v9 =	vmul.f32 v10, v9  }
0x149: {  	vm1 =	vgt.f32 v8, $0.0e+00  }
0x14a: {  	s11 =	sadd.s32 $0x40, s11;
	v8 =	vnsel vm1, $0x0, v9  }
0x14b: {  	[tilespmem:s11+$0xFFFFFFE0] =	vst v8  }
0x14c: {  	v8 =	vld [tilespmem:s1+$0x1C610];
	_ =	sdelay $0x4  }
0x14d: {  	v8 =	vmul.f32 v8, v10;
	_ =	sdelay $0x1  }
0x14e: {  	v8 =	vnsel vm1, $0x0, v8  }
0x14f: {  	[tilespmem:s11+$0xFFFFFFF0] =	vst v8  }
0x150: {  	v8 =	vld [tilespmem:s1+$0x1C620];
	_ =	sdelay $0x4  }
0x151: {  	v8 =	vmul.f32 v8, v10;
	_ =	sdelay $0x1  }
0x152: {  	v8 =	vnsel vm1, $0x0, v8  }
0x153: {  	[tilespmem:s11+$0x0] =	vst v8  }
0x154: {  	v8 =	vld [tilespmem:s1+$0x1C630];
	_ =	sdelay $0x3  }
.Ltmp5:
0x155: {  	_ = 	snop;
	(pc) =	sbr.rel @p1 .LBB2_21-.Ltmp5, $3  }
0x156: {  	v8 =	vmul.f32 v8, v10;
	_ =	sdelay $0x1  }
0x157: {  	v8 =	vnsel vm1, $0x0, v8  }
0x158: {  	s22 =	rddreg [dreg:$0x14];
	v9 =	vimm.f32 $0.0e+00;
	[tilespmem:s11+$0x10] =	vst v8;
	s11 =	simm.s32 $0x0  }
0x159: {  	s20 =	sshra.s32 s11, $0x2  }
0x15a: {  	v10 =	vld [tilespmem:s20+$0x1DE00]  }
0x15b: {  	s1 =	sadd.s32 $0x200, s11;
	v8 =	vimm.f32 $0.0e+00  }
.LBB2_13:
0x15c: {  	p2 =	sne.s32 s1, $0x3E00  }
.Ltmp6:
0x15d: {  	_ = 	snop;
	(pc) =	sbr.rel @p2 .LBB2_13-.Ltmp6, $4  }
0x15e: {  	_ = 	snop  }
0x15f: {  	s20 =	sshra.s32 s1, $0x2;
	s1 =	sadd.s32 $0x200, s1;
	vm1 =	vgt.f32 v10, $0.0e+00  }
0x160: {  	v10 =	vld [tilespmem:s20+$0x1DE00];
	v11 =	vsel vm1, $0x3F800000, v9  }
0x161: {  	v8 =	vadd.f32 v11, v8  }
0x162: {  	_ =	sdelay $0x2  }
0x163: {  	vm1 =	vgt.f32 v10, $0.0e+00  }
0x164: {  	v10 =	vsel vm1, $0x3F800000, v9  }
0x165: {  	v8 =	vadd.f32 v10, v8  }
.LBB2_15:
0x166: {  	s20 =	simm.s32 $0x1D620  }
0x167: {  	s1 =	sshll.u32 s11, $0x6;
	v14 =	vld [tilespmem:s20+$0xFFFFFFF0]  }
0x168: {  	s1 =	sand.u32 $0x3FFFFFC0, s1;
	v15 =	vld [tilespmem:s20+$0xFFFFFFE0]  }
0x169: {  	v10 =	vld [tilespmem:s1+$0x1D600]  }
0x16a: {  	v11 =	vld [tilespmem:s1+$0x1D610]  }
0x16b: {  	v16 =	vld [tilespmem:s20+$0x0]  }
0x16c: {  	v13 =	vld [tilespmem:s1+$0x1D620]  }
0x16d: {  	v17 =	vld [tilespmem:s20+$0x10]  }
0x16e: {  	v12 =	vld [tilespmem:s1+$0x1D630]  }
0x16f: {  	v15 =	vsub.f32 v10, v15;
	v14 =	vsub.f32 v11, v14;
	_ =	sdelay $0x1  }
0x170: {  	v16 =	vsub.f32 v13, v16;
	v15 =	vand.u32 $0x7FFFFFFF, v15;
	v14 =	vand.u32 $0x7FFFFFFF, v14  }
0x171: {  	v14 =	vadd.f32 v14, v15  }
0x172: {  	v15 =	vand.u32 $0x7FFFFFFF, v16;
	v16 =	vsub.f32 v12, v17  }
0x173: {  	v14 =	vadd.f32 v15, v14  }
0x174: {  	v15 =	vand.u32 $0x7FFFFFFF, v16  }
0x175: {  	s22 =	sshll.u32 s11, $0x7;
	v14 =	vadd.f32 v15, v14  }
0x176: {  	s1 =	sand.u32 $0x3FFFFF80, s22  }
0x177: {  	v15 =	vld [tilespmem:s1+$0x1DE00];
	[tilespmem:$0x1EE00] =	vst v14  }
0x178: {  	v16 =	vld.idx.msk [tilespmem:v2+s16+$0x0], $0xffff;
	_ =	sdelay $0x4  }
0x179: {  	v14 =	vadd.f32 v14, v16;
	_ =	sdelay $0x1  }
0x17a: {  	[tilespmem:$0x1EE00] =	vst v14  }
0x17b: {  	v16 =	vld.idx.msk [tilespmem:v4+s16+$0x0], $0xffff;
	_ =	sdelay $0x4  }
0x17c: {  	v14 =	vadd.f32 v16, v14;
	_ =	sdelay $0x1  }
0x17d: {  	[tilespmem:$0x1EE00] =	vst v14  }
0x17e: {  	v16 =	vld.idx.msk [tilespmem:v5+s16+$0x0], $0xffff;
	_ =	sdelay $0x4  }
0x17f: {  	v14 =	vadd.f32 v16, v14;
	_ =	sdelay $0x1  }
0x180: {  	s24 =	simm.s32 $0x1D660;
	[tilespmem:$0x1EE00] =	vst v14  }
0x181: {  	v16 =	vld [tilespmem:s24+$0xFFFFFFF0]  }
0x182: {  	v17 =	vld [tilespmem:s24+$0xFFFFFFE0];
	_ =	sdelay $0x1  }
0x183: {  	v18 =	vld [tilespmem:s24+$0x0];
	_ =	sdelay $0x1  }
0x184: {  	v19 =	vld [tilespmem:s24+$0x10]  }
0x185: {  	v17 =	vsub.f32 v10, v17;
	v16 =	vsub.f32 v11, v16;
	_ =	sdelay $0x1  }
0x186: {  	v18 =	vsub.f32 v13, v18;
	v17 =	vand.u32 $0x7FFFFFFF, v17;
	v16 =	vand.u32 $0x7FFFFFFF, v16  }
0x187: {  	v16 =	vadd.f32 v16, v17  }
0x188: {  	v17 =	vand.u32 $0x7FFFFFFF, v18;
	v18 =	vsub.f32 v12, v19  }
0x189: {  	v16 =	vadd.f32 v17, v16  }
0x18a: {  	v17 =	vand.u32 $0x7FFFFFFF, v18  }
0x18b: {  	v16 =	vadd.f32 v17, v16  }
0x18c: {  	s20 =	simm.s32 $0x1DE00;
	v18 =	vld.idx.msk [tilespmem:v6+s16+$0x0], $0xffff  }
0x18d: {  	v17 =	vld [tilespmem:s20+$0x0];
	[tilespmem:$0x1EE00] =	vst v16  }
0x18e: {  	v19 =	vld.idx.msk [tilespmem:v2+s16+$0x0], $0xffff;
	_ =	sdelay $0x4  }
0x18f: {  	v16 =	vadd.f32 v16, v19;
	_ =	sdelay $0x1  }
0x190: {  	[tilespmem:$0x1EE00] =	vst v16  }
0x191: {  	v19 =	vld.idx.msk [tilespmem:v4+s16+$0x0], $0xffff;
	_ =	sdelay $0x4  }
0x192: {  	v16 =	vadd.f32 v19, v16;
	_ =	sdelay $0x1  }
0x193: {  	[tilespmem:$0x1EE00] =	vst v16  }
0x194: {  	v19 =	vld.idx.msk [tilespmem:v5+s16+$0x0], $0xffff  }
0x195: {  	v14 =	vadd.f32 v18, v14;
	_ =	sdelay $0x1  }
0x196: {  	p2 =	slt.s32 s11, $0x0;
	vm2 =	vmmov vm0;
	v14 =	vsub.f32 $2.500000000e-01, v14  }
0x197: {  	vm2 =	vmneg @p2 vm2  }
0x198: {  	vm1 =	vgt.f32 v15, $0.0e+00;
	v15 =	vmax.f32 v14, $0.0e+00;
	v14 =	vadd.f32 v19, v16  }
0x199: {  	vm2 =	vmand vm1, vm2;
	vm3 =	vgt.f32 v17, $0.0e+00;
	v15 =	vmul.f32 v15, v15  }
0x19a: {  	s1 =	simm.s32 $0x1D6A0;
	vm2 =	vmand vm2, vm3;
	[tilespmem:$0x1EE00] =	vst v14  }
0x19b: {  	v16 =	vnsel vm2, $0x0, v15;
	v15 =	vld [tilespmem:s1+$0xFFFFFFF0]  }
0x19c: {  	s28 =	simm.s32 $0x2;
	s22 =	simm.s32 $0x3;
	s24 =	simm.s32 $0x1;
	v9 =	vadd.f32 v16, v9;
	v16 =	vld [tilespmem:s1+$0xFFFFFFE0]  }
.LBB2_16:
0x19d: {  	p2 =	sne.s32 s22, $0x1F;
	v17 =	vld [tilespmem:s1+$0x0]  }
0x19e: {  	v18 =	vld [tilespmem:s1+$0x10]  }
0x19f: {  	s20 =	sadd.s32 $0x80, s20;
	v19 =	vld.idx.msk [tilespmem:v6+s16+$0x0], $0xffff  }
0x1a0: {  	v20 =	vld [tilespmem:s20+$0x0]  }
0x1a1: {  	v15 =	vsub.f32 v11, v15;
	v16 =	vsub.f32 v10, v16  }
0x1a2: {  	vm2 =	vmmov vm0  }
0x1a3: {  	p3 =	slt.s32 s11, s24;
	s24 =	smov.u32 s28;
	s28 =	smov.u32 s22;
	v15 =	vand.u32 $0x7FFFFFFF, v15;
	v17 =	vsub.f32 v13, v17;
	v16 =	vand.u32 $0x7FFFFFFF, v16  }
0x1a4: {  	vm2 =	vmneg @p3 vm2;
	v15 =	vadd.f32 v15, v16  }
0x1a5: {  	v16 =	vand.u32 $0x7FFFFFFF, v17;
	v17 =	vsub.f32 v12, v18;
	v14 =	vadd.f32 v19, v14  }
0x1a6: {  	vm2 =	vmand vm1, vm2;
	vm3 =	vgt.f32 v20, $0.0e+00;
	v15 =	vadd.f32 v16, v15  }
0x1a7: {  	v16 =	vand.u32 $0x7FFFFFFF, v17;
	vm2 =	vmand vm2, vm3;
	v14 =	vsub.f32 $2.500000000e-01, v14  }
0x1a8: {  	v15 =	vadd.f32 v16, v15  }
0x1a9: {  	v14 =	vmax.f32 v14, $0.0e+00  }
0x1aa: {  	v14 =	vmul.f32 v14, v14;
	[tilespmem:$0x1EE00] =	vst v15  }
0x1ab: {  	v16 =	vld.idx.msk [tilespmem:v2+s16+$0x0], $0xffff  }
0x1ac: {  	v14 =	vnsel vm2, $0x0, v14  }
0x1ad: {  	v9 =	vadd.f32 v14, v9;
	_ =	sdelay $0x3  }
0x1ae: {  	v14 =	vadd.f32 v15, v16;
	_ =	sdelay $0x1  }
0x1af: {  	[tilespmem:$0x1EE00] =	vst v14  }
0x1b0: {  	v15 =	vld.idx.msk [tilespmem:v4+s16+$0x0], $0xffff;
	_ =	sdelay $0x5  }
0x1b1: {  	v14 =	vadd.f32 v15, v14;
	_ =	sdelay $0x1  }
0x1b2: {  	[tilespmem:$0x1EE00] =	vst v14  }
0x1b3: {  	v15 =	vld.idx.msk [tilespmem:v5+s16+$0x0], $0xffff;
	_ =	sdelay $0x5  }
.Ltmp7:
0x1b4: {  	v14 =	vadd.f32 v15, v14;
	(pc) =	sbr.rel @p2 .LBB2_16-.Ltmp7, $4  }
0x1b5: {  	_ = 	snop  }
0x1b6: {  	s1 =	sadd.s32 $0x40, s1;
	[tilespmem:$0x1EE00] =	vst v14  }
0x1b7: {  	v15 =	vld [tilespmem:s1+$0xFFFFFFF0]  }
0x1b8: {  	s22 =	sadd.s32 $0x1, s22;
	v16 =	vld [tilespmem:s1+$0xFFFFFFE0]  }
0x1b9: {  	_ = 	snop  }
0x1ba: {  	v17 =	vld [tilespmem:s1+$0x0];
	_ =	sdelay $0x1  }
0x1bb: {  	v18 =	vld [tilespmem:s1+$0x10]  }
0x1bc: {  	v11 =	vsub.f32 v11, v15;
	v10 =	vsub.f32 v10, v16;
	_ =	sdelay $0x1  }
0x1bd: {  	v11 =	vand.u32 $0x7FFFFFFF, v11;
	v13 =	vsub.f32 v13, v17;
	v10 =	vand.u32 $0x7FFFFFFF, v10  }
0x1be: {  	v10 =	vadd.f32 v11, v10  }
0x1bf: {  	v12 =	vsub.f32 v12, v18;
	v11 =	vand.u32 $0x7FFFFFFF, v13  }
0x1c0: {  	v10 =	vadd.f32 v11, v10  }
0x1c1: {  	v11 =	vand.u32 $0x7FFFFFFF, v12  }
0x1c2: {  	v10 =	vadd.f32 v11, v10  }
0x1c3: {  	v58 =	vld.idx.msk [tilespmem:v6+s16+$0x0], $0xffff;
	s22 =	sadd.s32 $0x80, s20  }
0x1c4: {  	v11 =	vld [tilespmem:s22+$0x0];
	[tilespmem:$0x1EE00] =	vst v10  }
0x1c5: {  	v59 =	vld.idx.msk [tilespmem:v2+s16+$0x0], $0xffff;
	_ =	sdelay $0x4  }
0x1c6: {  	v10 =	vadd.f32 v10, v59;
	_ =	sdelay $0x1  }
0x1c7: {  	[tilespmem:$0x1EE00] =	vst v10  }
0x1c8: {  	v60 =	vld.idx.msk [tilespmem:v4+s16+$0x0], $0xffff;
	_ =	sdelay $0x4  }
0x1c9: {  	v10 =	vadd.f32 v60, v10;
	_ =	sdelay $0x1  }
0x1ca: {  	[tilespmem:$0x1EE00] =	vst v10  }
0x1cb: {  	v61 =	vld.idx.msk [tilespmem:v5+s16+$0x0], $0xffff;
	_ =	sdelay $0x4  }
0x1cc: {  	v10 =	vadd.f32 v61, v10;
	_ =	sdelay $0x1  }
0x1cd: {  	[tilespmem:$0x1EE00] =	vst v10  }
0x1ce: {  	v62 =	vld.idx.msk [tilespmem:v6+s16+$0x0], $0xffff  }
0x1cf: {  	v12 =	vadd.f32 v58, v14;
	_ =	sdelay $0x1  }
0x1d0: {  	p2 =	slt.s32 s11, s24;
	vm2 =	vmmov vm0;
	v12 =	vsub.f32 $2.500000000e-01, v12  }
0x1d1: {  	s1 =	sadd.s32 $0x80, s22;
	vm2 =	vmneg @p2 vm2  }
0x1d2: {  	vm3 =	vgt.f32 v11, $0.0e+00;
	v11 =	vmax.f32 v12, $0.0e+00;
	v63 =	vld [tilespmem:s1+$0x0];
	v10 =	vadd.f32 v62, v10  }
0x1d3: {  	vm2 =	vmand vm1, vm2;
	v11 =	vmul.f32 v11, v11  }
0x1d4: {  	p2 =	slt.s32 s11, s28;
	s11 =	sadd.s32 $0x1, s11;
	vm2 =	vmand vm2, vm3;
	vm3 =	vmmov vm0;
	v10 =	vsub.f32 $2.500000000e-01, v10  }
0x1d5: {  	vm3 =	vmneg @p2 vm3;
	p2 =	sne.s32 s11, $0x20  }
.Ltmp8:
0x1d6: {  	v11 =	vnsel vm2, $0x0, v11;
	v10 =	vmax.f32 v10, $0.0e+00;
	(pc) =	sbr.rel @p2 .LBB2_15-.Ltmp8, $4  }
0x1d7: {  	vm1 =	vmand vm1, vm3;
	vm2 =	vgt.f32 v63, $0.0e+00;
	v10 =	vmul.f32 v10, v10  }
0x1d8: {  	v9 =	vadd.f32 v11, v9;
	vm1 =	vmand vm1, vm2  }
0x1d9: {  	v10 =	vnsel vm1, $0x0, v10  }
0x1da: {  	v9 =	vadd.f32 v10, v9  }
0x1db: {  	s1 =	simm.s32 $0x1D620  }
0x1dc: {  	v10 =	vld [tilespmem:s1+$0xFFFFFFE0]  }
0x1dd: {  	v12 =	vld [tilespmem:s1+$0xFFFFFFF0];
	_ =	sdelay $0x1  }
0x1de: {  	v14 =	vld [tilespmem:s1+$0x0];
	_ =	sdelay $0x1  }
0x1df: {  	s20 =	simm.s32 $0x1D660;
	v17 =	vld [tilespmem:s1+$0x10]  }
0x1e0: {  	v11 =	vld [tilespmem:s20+$0xFFFFFFE0];
	v10 =	vmul.f32 v10, v10;
	v12 =	vmul.f32 v12, v12  }
0x1e1: {  	s28 =	simm.s32 $0x0;
	v13 =	vld [tilespmem:s20+$0xFFFFFFF0]  }
0x1e2: {  	v14 =	vmul.f32 v14, v14;
	v16 =	vadd.f32 v12, v10;
	v12 =	vld [tilespmem:s28+$0x1DE00]  }
0x1e3: {  	v15 =	vld [tilespmem:s20+$0x0]  }
0x1e4: {  	v17 =	vmul.f32 v17, v17;
	v16 =	vadd.f32 v14, v16  }
0x1e5: {  	s11 =	simm.s32 $0x200;
	s1 =	simm.s32 $0x400;
	v10 =	vimm.f32 $0.0e+00;
	v14 =	vld [tilespmem:s20+$0x10];
	s20 =	simm.s32 $0x1D6A0  }
.LBB2_19:
0x1e6: {  	v18 =	vmul.f32 v11, v11;
	v11 =	vld [tilespmem:s20+$0xFFFFFFE0];
	v19 =	vmul.f32 v13, v13;
	v16 =	vadd.f32 v17, v16;
	s22 =	smov.u32 s1;
	p2 =	sne.s32 s1, $0x3E00  }
.Ltmp9:
0x1e7: {  	s1 =	sadd.s32 $0x200, s1;
	s11 =	sshra.s32 s11, $0x2;
	v13 =	vld [tilespmem:s20+$0xFFFFFFF0];
	vm1 =	vgt.f32 v12, $0.0e+00;
	(pc) =	sbr.rel @p2 .LBB2_19-.Ltmp9, $4  }
0x1e8: {  	v17 =	vadd.f32 v19, v18;
	v18 =	vmul.f32 v15, v15;
	v12 =	vld [tilespmem:s11+$0x1DE00];
	v16 =	vnsel vm1, $0x0, v16;
	s11 =	smov.u32 s22  }
0x1e9: {  	v15 =	vld [tilespmem:s20+$0x0];
	v10 =	vadd.f32 v16, v10  }
0x1ea: {  	v16 =	vadd.f32 v18, v17;
	v17 =	vmul.f32 v14, v14  }
0x1eb: {  	v14 =	vld [tilespmem:s20+$0x10];
	s20 =	sadd.s32 $0x40, s20  }
0x1ec: {  	v11 =	vmul.f32 v11, v11;
	v13 =	vmul.f32 v13, v13  }
0x1ed: {  	s1 =	sshra.s32 s11, $0x2  }
0x1ee: {  	v52 =	vld [tilespmem:s1+$0x1DE00];
	v11 =	vadd.f32 v13, v11;
	v51 =	vmul.f32 v15, v15;
	_ =	sdelay $0x1  }
0x1ef: {  	v16 =	vadd.f32 v17, v16;
	v11 =	vadd.f32 v51, v11;
	v53 =	vmul.f32 v14, v14  }
0x1f0: {  	vm1 =	vgt.f32 v12, $0.0e+00  }
0x1f1: {  	v12 =	vnsel vm1, $0x0, v16;
	v11 =	vadd.f32 v53, v11  }
0x1f2: {  	v10 =	vadd.f32 v12, v10;
	vm1 =	vgt.f32 v52, $0.0e+00  }
0x1f3: {  	v11 =	vnsel vm1, $0x0, v11  }
0x1f4: {  	v10 =	vadd.f32 v11, v10;
	_ =	sdelay $0x1  }
0x1f5: {  	[tilespmem:$0x1EE00] =	vst v10  }
0x1f6: {  	v54 =	vld.idx.msk [tilespmem:v2+s16+$0x0], $0xffff;
	_ =	sdelay $0x4  }
0x1f7: {  	v10 =	vadd.f32 v54, v10;
	_ =	sdelay $0x1  }
0x1f8: {  	[tilespmem:$0x1EE00] =	vst v10  }
0x1f9: {  	v55 =	vld.idx.msk [tilespmem:v4+s16+$0x0], $0xffff;
	_ =	sdelay $0x4  }
0x1fa: {  	v56 =	vadd.f32 $-1.000000000e+00, v8;
	v10 =	vadd.f32 v55, v10;
	_ =	sdelay $0x1  }
0x1fb: {  	v57 =	vmul.f32 v56, v8;
	[tilespmem:$0x1EE00] =	vst v10  }
0x1fc: {  	v58 =	vld.idx.msk [tilespmem:v5+s16+$0x0], $0xffff  }
0x1fd: {  	v11 =	vmul.f32 $5.000000000e-01, v57  }
0x1fe: {  	v59 =	vmul.f32 $6.400000000e+01, v8  }
0x1ff: {  	v11 =	vmax.f32 v11, $1.000000000e+00  }
0x200: {  	v60 =	vmax.f32 v59, $1.000000000e+00;
	(erf) = vrcp.f32 v11  }
0x201: {  	(erf) = vrcp.f32 v60;
	v10 =	vadd.f32 v58, v10;
	_ =	sdelay $0x1  }
0x202: {  	[tilespmem:$0x1EE00] =	vst v10  }
0x203: {  	v61 =	vld.idx.msk [tilespmem:v6+s16+$0x0], $0xffff;
	_ =	sdelay $0x4  }
0x204: {  	v62 =	vpop (erf);
	v10 =	vadd.f32 v61, v10  }
0x205: {  	v63 =	vpop (erf)  }
0x206: {  	v10 =	vmul.f32 v10, v63  }
0x207: {  	v9 =	vmul.f32 v9, v62  }
0x208: {  	vm1 =	vge.f32 v8, $2.000000000e+00;
	v8 =	vmul.f32 $9.999999740e-05, v10  }
0x209: {  	v9 =	vnsel vm1, $0x0, v9  }
0x20a: {  	v8 =	vadd.f32 v8, v9;
	_ =	sdelay $0x1  }
0x20b: {  	s28 =	rddreg [dreg:$0x11];
	[tilespmem:$0x1EE00] =	vst v8  }
0x20c: {  	[hbm4b:s28+s4] =	stream.linear.scatter [tilespmem:s16], [sflag:$0x5], $0x80, $0x38;
	[tilespmem:$0x1F100] =	vst v63  }
0x20d: {  	_ =	swait.ge [sflag:s26], $0x80  }
0x20e: {  	[sflag:s26] =	ssyncset.done $0x0  }
0x20f: {  	s22 =	rddreg [dreg:$0x14];
	[sflag:s26] =	ssyncadd.s32 $0xFFFFFF80  }
0x210: {  	s24 =	rddreg [dreg:$0x0]  }
.LBB2_21:
0x211: {  	s1 =	rddreg [dreg:$0x12]  }
0x212: {  	[tilespmem:s18], [sflag:$0x1] =	stream.strided.gather [hbm4b:s1+s8], $0x8000, s17, s8, $0x38;
	[tilespmem:$0x1F100] =	vst v63  }
0x213: {  	s28 =	rddreg [dreg:$0xa];
	s11 =	simm.s32 $0x1C200  }
0x214: {  	[tilespmem:s11], [sflag:$0x3] =	stream.strided.gather [hbm4b:s28+s8], $0x200, s17, s8, $0x38;
	[tilespmem:$0x1F100] =	vst v63  }
0x215: {  	s11 =	rddreg [dreg:$0x13]  }
0x216: {  	[tilespmem:s21], [sflag:$0x2] =	stream.strided.gather [hbm4b:s11+s8], $0x8000, s17, s8, $0x38;
	[tilespmem:$0x1F100] =	vst v63  }
0x217: {  	s20 =	rddreg [dreg:$0xc];
	s28 =	simm.s32 $0x1C400;
	s11 =	simm.s32 $0x0  }
0x218: {  	v8 =	vimm.f32 $0.0e+00;
	[tilespmem:s28], [sflag:$0x4] =	stream.strided.gather [hbm4b:s20+s8], $0x200, s17, s8, $0x38;
	[tilespmem:$0x1F100] =	vst v63  }
.LBB2_22:
0x219: {  	_ =	swait.ge [sflag:s0], $0x8000  }
0x21a: {  	[sflag:s0] =	ssyncset.done $0x0  }
0x21b: {  	[sflag:s0] =	ssyncadd.s32 $0xFFFF8000  }
0x21c: {  	_ =	swait.ge [sflag:s7], $0x200  }
0x21d: {  	[sflag:s7] =	ssyncset.done $0x0  }
0x21e: {  	s28 =	simm.s32 $0x0;
	[sflag:s7] =	ssyncadd.s32 $0xFFFFFE00  }
.LBB2_23:
0x21f: {  	s1 =	sshll.u32 s28, $0x4  }
0x220: {  	v9 =	vld [tilespmem:s1+$0x1C200]  }
0x221: {  	v10 =	vmov s1  }
0x222: {  	v10 =	vshll.u32 v10, $0x6  }
0x223: {  	v10 =	vor.u32 v7, v10  }
0x224: {  	v11 =	vor.u32 $0x1, v10  }
0x225: {  	v9 =	vshll.u32 v9, $0x6  }
0x226: {  	v13 =	vor.u32 $0x2, v10  }
0x227: {  	v12 =	vor.u32 $0x1, v9  }
0x228: {  	v15 =	vor.u32 $0x2, v9;
	v14 =	vld.idx.msk [tilespmem:v10+s18+$0x0], $0xffff  }
0x229: {  	v17 =	vor.u32 $0x3, v10;
	v11 =	vld.idx.msk [tilespmem:v11+s18+$0x0], $0xffff  }
0x22a: {  	v18 =	vor.u32 $0x3, v9;
	v16 =	vld.idx.msk [tilespmem:v9+s25+$0x0], $0xffff  }
0x22b: {  	v21 =	vadd.s32 $0x4, v9;
	v19 =	vld.idx.msk [tilespmem:v13+s18+$0x0], $0xffff  }
0x22c: {  	v10 =	vadd.s32 $0x4, v10;
	v12 =	vld.idx.msk [tilespmem:v12+s25+$0x0], $0xffff  }
0x22d: {  	v20 =	vor.u32 $0x1, v21;
	v15 =	vld.idx.msk [tilespmem:v15+s25+$0x0], $0xffff  }
0x22e: {  	v22 =	vld.idx.msk [tilespmem:v17+s18+$0x0], $0xffff;
	v9 =	vor.u32 $0x1, v10  }
0x22f: {  	v23 =	vor.u32 $0x2, v10;
	v24 =	vld.idx.msk [tilespmem:v18+s25+$0x0], $0xffff;
	v14 =	vsub.f32 v14, v16  }
0x230: {  	v25 =	vor.u32 $0x2, v21;
	v26 =	vor.u32 $0x3, v10;
	v17 =	vld.idx.msk [tilespmem:v21+s25+$0x0], $0xffff  }
0x231: {  	v13 =	vld.idx.msk [tilespmem:v10+s18+$0x0], $0xffff;
	v16 =	vimm.f32 $0.0e+00;
	v11 =	vsub.f32 v11, v12;
	v14 =	vand.u32 $0x7FFFFFFF, v14  }
0x232: {  	v15 =	vsub.f32 v19, v15;
	v12 =	vadd.f32 v14, v16;
	v14 =	vld.idx.msk [tilespmem:v20+s25+$0x0], $0xffff;
	v20 =	vor.u32 $0x3, v21  }
0x233: {  	v9 =	vld.idx.msk [tilespmem:v9+s18+$0x0], $0xffff;
	v16 =	vand.u32 $0x7FFFFFFF, v11  }
0x234: {  	v11 =	vadd.s32 $0x4, v10;
	v10 =	vld.idx.msk [tilespmem:v23+s18+$0x0], $0xffff;
	v63 =	vand.u32 $0x7FFFFFFF, v15;
	v23 =	vadd.f32 v16, v12  }
0x235: {  	v15 =	vld.idx.msk [tilespmem:v26+s18+$0x0], $0xffff;
	v18 =	vor.u32 $0x1, v11;
	v12 =	vadd.s32 $0x4, v21;
	v21 =	vsub.f32 v22, v24  }
0x236: {  	s1 =	simm.s32 $0xD;
	v16 =	vld.idx.msk [tilespmem:v25+s25+$0x0], $0xffff;
	v19 =	vor.u32 $0x1, v12;
	v22 =	vadd.f32 v63, v23  }
.LBB2_24:
0x237: {  	p2 =	sne.s32 s1, $0x1;
	v23 =	vor.u32 $0x2, v11;
	v24 =	vsub.f32 v13, v17;
	v25 =	vld.idx.msk [tilespmem:v20+s25+$0x0], $0xffff;
	v17 =	vand.u32 $0x7FFFFFFF, v21  }
0x238: {  	v21 =	vor.u32 $0x2, v12;
	v13 =	vld.idx.msk [tilespmem:v11+s18+$0x0], $0xffff;
	v22 =	vadd.f32 v17, v22  }
0x239: {  	v26 =	vor.u32 $0x3, v11;
	v27 =	vsub.f32 v9, v14;
	v17 =	vld.idx.msk [tilespmem:v12+s25+$0x0], $0xffff;
	v24 =	vand.u32 $0x7FFFFFFF, v24  }
.Ltmp10:
0x23a: {  	v20 =	vor.u32 $0x3, v12;
	v9 =	vld.idx.msk [tilespmem:v18+s18+$0x0], $0xffff;
	v18 =	vadd.f32 v24, v22;
	(pc) =	sbr.rel @p2 .LBB2_24-.Ltmp10, $4  }
0x23b: {  	v11 =	vadd.s32 $0x4, v11;
	v22 =	vsub.f32 v10, v16;
	v14 =	vld.idx.msk [tilespmem:v19+s25+$0x0], $0xffff;
	v19 =	vand.u32 $0x7FFFFFFF, v27  }
0x23c: {  	v12 =	vadd.s32 $0x4, v12;
	v10 =	vld.idx.msk [tilespmem:v23+s18+$0x0], $0xffff;
	v23 =	vadd.f32 v19, v18  }
0x23d: {  	v18 =	vor.u32 $0x1, v11;
	v22 =	vand.u32 $0x7FFFFFFF, v22;
	v16 =	vld.idx.msk [tilespmem:v21+s25+$0x0], $0xffff;
	v21 =	vsub.f32 v15, v25  }
0x23e: {  	s1 =	sadd.s32 $0xFFFFFFFF, s1;
	v19 =	vor.u32 $0x1, v12;
	v15 =	vld.idx.msk [tilespmem:v26+s18+$0x0], $0xffff;
	v22 =	vadd.f32 v22, v23  }
0x23f: {  	_ =	sdelay $0x2  }
0x240: {  	v13 =	vsub.f32 v13, v17;
	v53 =	vand.u32 $0x7FFFFFFF, v21  }
0x241: {  	v54 =	vor.u32 $0x2, v11;
	v20 =	vld.idx.msk [tilespmem:v20+s25+$0x0], $0xffff;
	v17 =	vadd.f32 v53, v22  }
0x242: {  	v55 =	vld.idx.msk [tilespmem:v11+s18+$0x0], $0xffff;
	v23 =	vor.u32 $0x2, v12;
	v9 =	vsub.f32 v9, v14;
	v13 =	vand.u32 $0x7FFFFFFF, v13  }
0x243: {  	v56 =	vld.idx.msk [tilespmem:v12+s25+$0x0], $0xffff;
	v11 =	vor.u32 $0x3, v11;
	v13 =	vadd.f32 v13, v17  }
0x244: {  	v57 =	vld.idx.msk [tilespmem:v18+s18+$0x0], $0xffff;
	v58 =	vor.u32 $0x3, v12;
	v9 =	vand.u32 $0x7FFFFFFF, v9;
	v10 =	vsub.f32 v10, v16  }
0x245: {  	v59 =	vld.idx.msk [tilespmem:v19+s25+$0x0], $0xffff;
	v9 =	vadd.f32 v9, v13  }
0x246: {  	v60 =	vld.idx.msk [tilespmem:v54+s18+$0x0], $0xffff;
	v10 =	vand.u32 $0x7FFFFFFF, v10;
	v15 =	vsub.f32 v15, v20  }
0x247: {  	v61 =	vld.idx.msk [tilespmem:v23+s25+$0x0], $0xffff;
	v9 =	vadd.f32 v10, v9  }
0x248: {  	v10 =	vld.idx.msk [tilespmem:v11+s18+$0x0], $0xffff;
	v11 =	vsub.f32 v55, v56;
	v62 =	vand.u32 $0x7FFFFFFF, v15  }
0x249: {  	v12 =	vld.idx.msk [tilespmem:v58+s25+$0x0], $0xffff;
	v9 =	vadd.f32 v62, v9  }
0x24a: {  	v63 =	vsub.f32 v57, v59;
	v11 =	vand.u32 $0x7FFFFFFF, v11  }
0x24b: {  	v9 =	vadd.f32 v11, v9  }
0x24c: {  	v13 =	vsub.f32 v60, v61;
	v11 =	vand.u32 $0x7FFFFFFF, v63  }
0x24d: {  	v9 =	vadd.f32 v11, v9  }
0x24e: {  	v10 =	vsub.f32 v10, v12;
	v11 =	vand.u32 $0x7FFFFFFF, v13  }
0x24f: {  	s28 =	sadd.s32 $0x1, s28;
	v9 =	vadd.f32 v11, v9  }
0x250: {  	p2 =	sne.s32 s28, $0x20;
	v10 =	vand.u32 $0x7FFFFFFF, v10  }
.Ltmp11:
0x251: {  	v9 =	vadd.f32 v10, v9;
	(pc) =	sbr.rel @p2 .LBB2_23-.Ltmp11, $3  }
0x252: {  	_ = 	snop  }
0x253: {  	v9 =	vmul.f32 v9, v9;
	_ =	sdelay $0x1  }
0x254: {  	v8 =	vadd.f32 v9, v8  }
0x255: {  	s28 =	sshll.u32 s11, $0x1  }
0x256: {  	s1 =	smin.u32 s28, $0x1D  }
0x257: {  	s1 =	sshll.u32 s1, $0x9  }
0x258: {  	s1 =	sadd.s32 s1, s22  }
0x259: {  	s20 =	sshll.u32 s1, $0x9  }
0x25a: {  	s20 =	sor.u32 s6, s20  }
0x25b: {  	s20 =	sshrl.u32 s20, $0x3  }
0x25c: {  	s20 =	sadd.s32 s24, s20  }
0x25d: {  	[tilespmem:s18], [sflag:$0x1] =	stream.strided.gather [hbm4b:s20+s8], $0x8000, s17, s8, $0x38;
	[tilespmem:$0x1F100] =	vst v63  }
0x25e: {  	s1 =	sadd.s32 s1, s13;
	s20 =	simm.s32 $0x1C200  }
0x25f: {  	[tilespmem:s20], [sflag:$0x3] =	stream.strided.gather [hbm4b:s1+s8], $0x200, s17, s8, $0x38;
	[tilespmem:$0x1F100] =	vst v63  }
0x260: {  	_ =	swait.ge [sflag:s12], $0x8000  }
0x261: {  	[sflag:s12] =	ssyncset.done $0x0  }
0x262: {  	[sflag:s12] =	ssyncadd.s32 $0xFFFF8000  }
0x263: {  	_ =	swait.ge [sflag:s14], $0x200  }
0x264: {  	[sflag:s14] =	ssyncset.done $0x0  }
0x265: {  	s20 =	simm.s32 $0x0;
	[sflag:s14] =	ssyncadd.s32 $0xFFFFFE00  }
.LBB2_27:
0x266: {  	s1 =	sshll.u32 s20, $0x4  }
0x267: {  	v9 =	vld [tilespmem:s1+$0x1C400]  }
0x268: {  	v10 =	vmov s1  }
0x269: {  	v10 =	vshll.u32 v10, $0x6  }
0x26a: {  	v10 =	vor.u32 v7, v10  }
0x26b: {  	v11 =	vor.u32 $0x1, v10  }
0x26c: {  	v9 =	vshll.u32 v9, $0x6  }
0x26d: {  	v13 =	vor.u32 $0x2, v10  }
0x26e: {  	v12 =	vor.u32 $0x1, v9  }
0x26f: {  	v15 =	vor.u32 $0x2, v9;
	v14 =	vld.idx.msk [tilespmem:v10+s21+$0x0], $0xffff  }
0x270: {  	v17 =	vor.u32 $0x3, v10;
	v11 =	vld.idx.msk [tilespmem:v11+s21+$0x0], $0xffff  }
0x271: {  	v18 =	vor.u32 $0x3, v9;
	v16 =	vld.idx.msk [tilespmem:v9+s25+$0x0], $0xffff  }
0x272: {  	v21 =	vadd.s32 $0x4, v9;
	v19 =	vld.idx.msk [tilespmem:v13+s21+$0x0], $0xffff  }
0x273: {  	v10 =	vadd.s32 $0x4, v10;
	v12 =	vld.idx.msk [tilespmem:v12+s25+$0x0], $0xffff  }
0x274: {  	v20 =	vor.u32 $0x1, v21;
	v15 =	vld.idx.msk [tilespmem:v15+s25+$0x0], $0xffff  }
0x275: {  	v22 =	vld.idx.msk [tilespmem:v17+s21+$0x0], $0xffff;
	v9 =	vor.u32 $0x1, v10  }
0x276: {  	v23 =	vor.u32 $0x2, v10;
	v24 =	vld.idx.msk [tilespmem:v18+s25+$0x0], $0xffff;
	v14 =	vsub.f32 v14, v16  }
0x277: {  	v25 =	vor.u32 $0x2, v21;
	v26 =	vor.u32 $0x3, v10;
	v17 =	vld.idx.msk [tilespmem:v21+s25+$0x0], $0xffff  }
0x278: {  	v13 =	vld.idx.msk [tilespmem:v10+s21+$0x0], $0xffff;
	v16 =	vimm.f32 $0.0e+00;
	v11 =	vsub.f32 v11, v12;
	v14 =	vand.u32 $0x7FFFFFFF, v14  }
0x279: {  	v15 =	vsub.f32 v19, v15;
	v12 =	vadd.f32 v14, v16;
	v14 =	vld.idx.msk [tilespmem:v20+s25+$0x0], $0xffff;
	v20 =	vor.u32 $0x3, v21  }
0x27a: {  	v9 =	vld.idx.msk [tilespmem:v9+s21+$0x0], $0xffff;
	v16 =	vand.u32 $0x7FFFFFFF, v11  }
0x27b: {  	v11 =	vadd.s32 $0x4, v10;
	v10 =	vld.idx.msk [tilespmem:v23+s21+$0x0], $0xffff;
	v63 =	vand.u32 $0x7FFFFFFF, v15;
	v23 =	vadd.f32 v16, v12  }
0x27c: {  	v15 =	vld.idx.msk [tilespmem:v26+s21+$0x0], $0xffff;
	v18 =	vor.u32 $0x1, v11;
	v12 =	vadd.s32 $0x4, v21;
	v21 =	vsub.f32 v22, v24  }
0x27d: {  	s1 =	simm.s32 $0xD;
	v16 =	vld.idx.msk [tilespmem:v25+s25+$0x0], $0xffff;
	v19 =	vor.u32 $0x1, v12;
	v22 =	vadd.f32 v63, v23  }
.LBB2_28:
0x27e: {  	p2 =	sne.s32 s1, $0x1;
	v23 =	vor.u32 $0x2, v11;
	v24 =	vsub.f32 v13, v17;
	v25 =	vld.idx.msk [tilespmem:v20+s25+$0x0], $0xffff;
	v17 =	vand.u32 $0x7FFFFFFF, v21  }
0x27f: {  	v21 =	vor.u32 $0x2, v12;
	v13 =	vld.idx.msk [tilespmem:v11+s21+$0x0], $0xffff;
	v22 =	vadd.f32 v17, v22  }
0x280: {  	v26 =	vor.u32 $0x3, v11;
	v27 =	vsub.f32 v9, v14;
	v17 =	vld.idx.msk [tilespmem:v12+s25+$0x0], $0xffff;
	v24 =	vand.u32 $0x7FFFFFFF, v24  }
.Ltmp12:
0x281: {  	v20 =	vor.u32 $0x3, v12;
	v9 =	vld.idx.msk [tilespmem:v18+s21+$0x0], $0xffff;
	v18 =	vadd.f32 v24, v22;
	(pc) =	sbr.rel @p2 .LBB2_28-.Ltmp12, $4  }
0x282: {  	v11 =	vadd.s32 $0x4, v11;
	v22 =	vsub.f32 v10, v16;
	v14 =	vld.idx.msk [tilespmem:v19+s25+$0x0], $0xffff;
	v19 =	vand.u32 $0x7FFFFFFF, v27  }
0x283: {  	v12 =	vadd.s32 $0x4, v12;
	v10 =	vld.idx.msk [tilespmem:v23+s21+$0x0], $0xffff;
	v23 =	vadd.f32 v19, v18  }
0x284: {  	v18 =	vor.u32 $0x1, v11;
	v22 =	vand.u32 $0x7FFFFFFF, v22;
	v16 =	vld.idx.msk [tilespmem:v21+s25+$0x0], $0xffff;
	v21 =	vsub.f32 v15, v25  }
0x285: {  	s1 =	sadd.s32 $0xFFFFFFFF, s1;
	v19 =	vor.u32 $0x1, v12;
	v15 =	vld.idx.msk [tilespmem:v26+s21+$0x0], $0xffff;
	v22 =	vadd.f32 v22, v23  }
0x286: {  	_ =	sdelay $0x2  }
0x287: {  	v13 =	vsub.f32 v13, v17;
	v53 =	vand.u32 $0x7FFFFFFF, v21  }
0x288: {  	v54 =	vor.u32 $0x2, v11;
	v20 =	vld.idx.msk [tilespmem:v20+s25+$0x0], $0xffff;
	v17 =	vadd.f32 v53, v22  }
0x289: {  	v55 =	vld.idx.msk [tilespmem:v11+s21+$0x0], $0xffff;
	v23 =	vor.u32 $0x2, v12;
	v9 =	vsub.f32 v9, v14;
	v13 =	vand.u32 $0x7FFFFFFF, v13  }
0x28a: {  	v56 =	vld.idx.msk [tilespmem:v12+s25+$0x0], $0xffff;
	v11 =	vor.u32 $0x3, v11;
	v13 =	vadd.f32 v13, v17  }
0x28b: {  	v57 =	vld.idx.msk [tilespmem:v18+s21+$0x0], $0xffff;
	v58 =	vor.u32 $0x3, v12;
	v9 =	vand.u32 $0x7FFFFFFF, v9;
	v10 =	vsub.f32 v10, v16  }
0x28c: {  	v59 =	vld.idx.msk [tilespmem:v19+s25+$0x0], $0xffff;
	v9 =	vadd.f32 v9, v13  }
0x28d: {  	v60 =	vld.idx.msk [tilespmem:v54+s21+$0x0], $0xffff;
	v10 =	vand.u32 $0x7FFFFFFF, v10;
	v15 =	vsub.f32 v15, v20  }
0x28e: {  	v61 =	vld.idx.msk [tilespmem:v23+s25+$0x0], $0xffff;
	v9 =	vadd.f32 v10, v9  }
0x28f: {  	v10 =	vld.idx.msk [tilespmem:v11+s21+$0x0], $0xffff;
	v11 =	vsub.f32 v55, v56;
	v62 =	vand.u32 $0x7FFFFFFF, v15  }
0x290: {  	v12 =	vld.idx.msk [tilespmem:v58+s25+$0x0], $0xffff;
	v9 =	vadd.f32 v62, v9  }
0x291: {  	v63 =	vsub.f32 v57, v59;
	v11 =	vand.u32 $0x7FFFFFFF, v11  }
0x292: {  	v9 =	vadd.f32 v11, v9  }
0x293: {  	v13 =	vsub.f32 v60, v61;
	v11 =	vand.u32 $0x7FFFFFFF, v63  }
0x294: {  	v9 =	vadd.f32 v11, v9  }
0x295: {  	v10 =	vsub.f32 v10, v12;
	v11 =	vand.u32 $0x7FFFFFFF, v13  }
0x296: {  	s20 =	sadd.s32 $0x1, s20;
	v9 =	vadd.f32 v11, v9  }
0x297: {  	p2 =	sne.s32 s20, $0x20;
	v10 =	vand.u32 $0x7FFFFFFF, v10  }
.Ltmp13:
0x298: {  	v9 =	vadd.f32 v10, v9;
	(pc) =	sbr.rel @p2 .LBB2_27-.Ltmp13, $3  }
0x299: {  	_ = 	snop  }
0x29a: {  	v9 =	vmul.f32 v9, v9;
	_ =	sdelay $0x1  }
0x29b: {  	v8 =	vadd.f32 v9, v8  }
0x29c: {  	s1 =	smin.u32 s28, $0x1C  }
0x29d: {  	s1 =	sshll.u32 s1, $0x9  }
0x29e: {  	s1 =	sadd.s32 s1, s23  }
0x29f: {  	s11 =	sadd.s32 $0x1, s11;
	s20 =	sshll.u32 s1, $0x9  }
0x2a0: {  	p2 =	sne.s32 s11, $0x10;
	s20 =	sor.u32 s6, s20  }
.Ltmp14:
0x2a1: {  	s20 =	sshrl.u32 s20, $0x3;
	(pc) =	sbr.rel @p2 .LBB2_22-.Ltmp14, $4  }
0x2a2: {  	s20 =	sadd.s32 s24, s20  }
0x2a3: {  	[tilespmem:s21], [sflag:$0x2] =	stream.strided.gather [hbm4b:s20+s8], $0x8000, s17, s8, $0x38;
	[tilespmem:$0x1F100] =	vst v63  }
0x2a4: {  	s28 =	simm.s32 $0x1C400;
	s1 =	sadd.s32 s1, s13  }
0x2a5: {  	[tilespmem:s28], [sflag:$0x4] =	stream.strided.gather [hbm4b:s1+s8], $0x200, s17, s8, $0x38;
	[tilespmem:$0x1F100] =	vst v63  }
0x2a6: {  	_ =	swait.ge [sflag:s0], $0x8000  }
0x2a7: {  	[sflag:s0] =	ssyncset.done $0x0  }
0x2a8: {  	[sflag:s0] =	ssyncadd.s32 $0xFFFF8000  }
0x2a9: {  	_ =	swait.ge [sflag:s7], $0x200  }
0x2aa: {  	[sflag:s7] =	ssyncset.done $0x0  }
0x2ab: {  	[sflag:s7] =	ssyncadd.s32 $0xFFFFFE00  }
0x2ac: {  	_ =	swait.ge [sflag:s12], $0x8000  }
0x2ad: {  	[sflag:s12] =	ssyncset.done $0x0  }
0x2ae: {  	[sflag:s12] =	ssyncadd.s32 $0xFFFF8000  }
0x2af: {  	_ =	swait.ge [sflag:s14], $0x200  }
0x2b0: {  	[sflag:s14] =	ssyncset.done $0x0  }
0x2b1: {  	[sflag:s14] =	ssyncadd.s32 $0xFFFFFE00  }
0x2b2: {  	s1 =	rddreg [dreg:$0x15];
	[tilespmem:$0x1EE00] =	vst v8  }
0x2b3: {  	[hbm4b:s1+s4] =	stream.linear.scatter [tilespmem:s16], [sflag:$0x5], $0x80, $0x38;
	[tilespmem:$0x1F100] =	vst v63  }
0x2b4: {  	_ =	swait.ge [sflag:s26], $0x80  }
0x2b5: {  	s11 =	rddreg [dreg:$0x17]  }
0x2b6: {  	s28 =	rddreg [dreg:$0x16];
	s11 =	sadd.s32 $0x1, s11  }
0x2b7: {  	p2 =	sne.s32 s11, s28  }
.Ltmp15:
0x2b8: {  	_ = 	snop;
	(pc) =	sbr.rel @p2 .LBB2_1-.Ltmp15, $3  }
0x2b9: {  	_ =	sdelay $0x1  }
0x2ba: {  	[sflag:s26] =	ssyncset.done $0x0  }
0x2bb: {  	[sflag:s26] =	ssyncadd.s32 $0xFFFFFF80  }
0x2bc: {  	_ =	sfence.sel $0x180000  }
0x2bd: {  	[bflag:$0x0] =	sbarrier.arrive $0xFFFF  }
0x2be: {  	_ =	strace $0x90000047  }
0x2bf: {  	[bflag:$0x2] =	sbarrier.arrive $0xFFFF  }
0x2c0: {  	s0 =	rddreg [dreg:$0x4]  }
0x2c1: {  	s0 =	sadd.s32 @!p0 $0x100000, s0  }
0x2c2: {  	[sflag:s0] =	ssyncadd.tile.s32 @!p0 $0x1;
	_ =	shalt  }
.Lfunc_end2:
_tile_overlayer_lowered:
.L_overlay_start_2:
0x2c3: {  	(tag) =	ssettag $0x2  }
0x2c4: {  	s0 =	rddreg [dreg:$0x0];
	s2 =	stileid.u32  }
0x2c5: {  	s1 =	rddreg [dreg:$0x1];
	p0 =	sne.s32 s2, $0x0  }
0x2c6: {  	s3 =	rddreg [dreg:$0x2];
	[bflag:$0x3] =	sbarrier.arrive $0xFFFF;
	s2 =	simm.s32 @!p0 $0x1C05  }
0x2c7: {  	[timem:s3], [sflag:s2] =	dma.local @!p0 [hbm:s0], s1  }
0x2c8: {  	s0 =	simm.s32 @!p0 $0x5  }
0x2c9: {  	_ =	swait.ge @!p0 [sflag:s0], s1  }
0x2ca: {  	s1 =	ssub.s32 @!p0 $0x0, s1;
	[sflag:s0] =	ssyncset.done @!p0 $0x0  }
0x2cb: {  	[sflag:s0] =	ssyncadd.s32 @!p0 s1  }
0x2cc: {  	[bflag:$0x3] =	sbarrier.arrive $0xFFFF  }
0x2cd: {  	_ =	shalt  }

</sc_bundles>
